<compile_context>
chip_gen: v7x
topology: tpu7x:2x2x1
jax: 0.10.2.dev20260603
libtpu: 0.0.44.dev20260713+nightly
codegen_flags: <defaults>
</compile_context>

<pallas_src>
import jax
import jax.numpy as jnp
from jax import lax
from jax.experimental import pallas as pl
from jax.experimental.pallas import tpu as pltpu
from jax.experimental.pallas import tpu_sc as plsc

N = 10000
C = 128
OUT = 64
N_PAD = 10112
NTILES = 16
NCORES = 2
NW = NCORES * NTILES
CHUNK = 128
CH = 79
E_PAD = NW * CH * CHUNK
ROWS_PER_TILE = N_PAD // NTILES

_MESH = plsc.VectorSubcoreMesh(core_axis_name="c", subcore_axis_name="s")


def _zero_vmem(ref, nrows, width):
    def zrow(i, _):
        def zcol(k, _2):
            ref[i, pl.ds(k * 16, 16)] = jnp.zeros((16,), jnp.float32)
            return 0
        return lax.fori_loop(0, width // 16, zcol, 0)
    lax.fori_loop(0, nrows, zrow, 0)


def _sc_deg_body(dst_hbm, out_hbm, dst_v, ones_v, zbuf, acc):
    cid = lax.axis_index("c")
    sid = lax.axis_index("s")
    wid = cid * NTILES + sid
    _zero_vmem(zbuf, 128, 16)
    def orow(i, _):
        ones_v[i, :] = jnp.ones((16,), jnp.float32)
        return 0
    lax.fori_loop(0, CHUNK, orow, 0)
    def zacc(k, _):
        pltpu.sync_copy(zbuf, acc.at[pl.ds(sid * ROWS_PER_TILE + k * 128, 128)])
        return 0
    lax.fori_loop(0, ROWS_PER_TILE // 128, zacc, 0)
    pltpu.sync_copy(zbuf.at[pl.ds(0, ROWS_PER_TILE % 128)],
                    acc.at[pl.ds(sid * ROWS_PER_TILE
                                 + (ROWS_PER_TILE // 128) * 128,
                                 ROWS_PER_TILE % 128)])
    pltpu.sync_copy(dst_hbm.at[wid], dst_v)
    plsc.subcore_barrier()
    def chunk(j, _):
        pltpu.sync_copy(ones_v, acc.at[dst_v.at[j]], add=True)
        return 0
    lax.fori_loop(0, CH, chunk, 0)
    plsc.subcore_barrier()
    pltpu.sync_copy(acc.at[pl.ds(sid * ROWS_PER_TILE, ROWS_PER_TILE)],
                    out_hbm.at[cid, pl.ds(sid * ROWS_PER_TILE, ROWS_PER_TILE)])


_sc_deg = pl.kernel(
    _sc_deg_body,
    out_type=jax.ShapeDtypeStruct((NCORES, N_PAD, 16), jnp.float32),
    mesh=_MESH,
    scratch_types=[
        pltpu.VMEM((CH, CHUNK), jnp.int32),
        pltpu.VMEM((CHUNK, 16), jnp.float32),
        pltpu.VMEM((128, 16), jnp.float32),
        pltpu.VMEM_SHARED((N_PAD, 16), jnp.float32),
    ],
)


def _sc_agg_body(xs_hbm, ei_hbm, out_hbm,
                 idxA, idxB, idxC, rowsA, rowsB, rowsC,
                 gsemA, gsemB, gsemC, isemA, isemB, isemC, acc):
    cid = lax.axis_index("c")
    sid = lax.axis_index("s")
    wid = cid * NTILES + sid
    _zero_vmem(rowsA, 128, C)
    def zacc(k, _):
        pltpu.sync_copy(rowsA, acc.at[pl.ds(sid * ROWS_PER_TILE + k * 128, 128)])
        return 0
    lax.fori_loop(0, ROWS_PER_TILE // 128, zacc, 0)
    pltpu.sync_copy(rowsA.at[pl.ds(0, ROWS_PER_TILE % 128)],
                    acc.at[pl.ds(sid * ROWS_PER_TILE
                                 + (ROWS_PER_TILE // 128) * 128,
                                 ROWS_PER_TILE % 128)])
    plsc.subcore_barrier()
    pltpu.async_copy(ei_hbm.at[wid, 0], idxA, isemA).wait()
    pltpu.async_copy(xs_hbm.at[idxA.at[0]], rowsA, gsemA)
    pltpu.async_copy(ei_hbm.at[wid, 1], idxB, isemB).wait()
    pltpu.async_copy(xs_hbm.at[idxB.at[0]], rowsB, gsemB)
    pltpu.async_copy(ei_hbm.at[wid, 2], idxC, isemC)

    def third(j, idx_c, rows_c, gsem_c, isem_c,
              idx_n2, rows_n2, gsem_n2, isem_n2):
        @pl.when(j + 2 < CH)
        def _():
            pltpu.make_async_copy(ei_hbm.at[wid, 0], idx_n2, isem_n2).wait()
            pltpu.async_copy(xs_hbm.at[idx_n2.at[0]], rows_n2, gsem_n2)
        pltpu.make_async_copy(xs_hbm.at[idx_c.at[0]], rows_c, gsem_c).wait()
        pltpu.sync_copy(rows_c, acc.at[idx_c.at[1]], add=True)
        @pl.when(j + 3 < CH)
        def _():
            pltpu.async_copy(ei_hbm.at[wid, j + 3], idx_c, isem_c)

    def triple(i, _):
        j0 = 3 * i
        third(j0, idxA, rowsA, gsemA, isemA, idxC, rowsC, gsemC, isemC)
        third(j0 + 1, idxB, rowsB, gsemB, isemB, idxA, rowsA, gsemA, isemA)
        third(j0 + 2, idxC, rowsC, gsemC, isemC, idxB, rowsB, gsemB, isemB)
        return 0
    lax.fori_loop(0, CH // 3, triple, 0)
    pltpu.make_async_copy(xs_hbm.at[idxA.at[0]], rowsA, gsemA).wait()
    pltpu.sync_copy(rowsA, acc.at[idxA.at[1]], add=True)
    plsc.subcore_barrier()
    pltpu.sync_copy(acc.at[pl.ds(sid * ROWS_PER_TILE, ROWS_PER_TILE)],
                    out_hbm.at[cid, pl.ds(sid * ROWS_PER_TILE, ROWS_PER_TILE)])


_sc_agg = pl.kernel(
    _sc_agg_body,
    out_type=jax.ShapeDtypeStruct((NCORES, N_PAD, C), jnp.float32),
    mesh=_MESH,
    scratch_types=[
        pltpu.VMEM((2, CHUNK), jnp.int32),
        pltpu.VMEM((2, CHUNK), jnp.int32),
        pltpu.VMEM((2, CHUNK), jnp.int32),
        pltpu.VMEM((CHUNK, C), jnp.float32),
        pltpu.VMEM((CHUNK, C), jnp.float32),
        pltpu.VMEM((CHUNK, C), jnp.float32),
        pltpu.SemaphoreType.DMA,
        pltpu.SemaphoreType.DMA,
        pltpu.SemaphoreType.DMA,
        pltpu.SemaphoreType.DMA,
        pltpu.SemaphoreType.DMA,
        pltpu.SemaphoreType.DMA,
        pltpu.VMEM_SHARED((N_PAD, C), jnp.float32),
    ],
)


R = 1000
G = N // R


def _tc_prescale_body(d0, d1, x, xs_o, dis_o):
    deg = d0[...] + d1[...] + 1.0
    dis = lax.rsqrt(deg)
    dis_o[...] = dis
    xs_o[...] = x[...] * dis


_tc_prescale = pl.pallas_call(
    _tc_prescale_body,
    grid=(G,),
    in_specs=[
        pl.BlockSpec((R, 1), lambda i: (i, 0)),
        pl.BlockSpec((R, 1), lambda i: (i, 0)),
        pl.BlockSpec((R, C), lambda i: (i, 0)),
    ],
    out_specs=[
        pl.BlockSpec((R, C), lambda i: (i, 0)),
        pl.BlockSpec((R, 1), lambda i: (i, 0)),
    ],
    out_shape=[
        jax.ShapeDtypeStruct((N, C), jnp.float32),
        jax.ShapeDtypeStruct((N, 1), jnp.float32),
    ],
)


_Y_SPECS = [
    pl.BlockSpec((NCORES, R, C), lambda i: (0, i, 0)),
]


def _tc_mid_body(p, base, dis, W, b, o_ref):
    disv = dis[...]
    pv = p[...]
    z = (pv[0] + pv[1] + base[...]) * disv
    o = jnp.dot(z, W[...], preferred_element_type=jnp.float32,
                precision=lax.Precision.HIGHEST) + b[...][None, :]
    o_ref[...] = jnp.maximum(o, 0.0) * disv


_tc_mid = pl.pallas_call(
    _tc_mid_body,
    grid=(G,),
    in_specs=_Y_SPECS + [
        pl.BlockSpec((R, C), lambda i: (i, 0)),
        pl.BlockSpec((R, 1), lambda i: (i, 0)),
        pl.BlockSpec((C, C), lambda i: (0, 0)),
        pl.BlockSpec((C,), lambda i: (0,)),
    ],
    out_specs=pl.BlockSpec((R, C), lambda i: (i, 0)),
    out_shape=jax.ShapeDtypeStruct((N, C), jnp.float32),
)


def _tc_final_body(p, base, dis, W, b, mu_ref, ls_ref):
    disv = dis[...]
    pv = p[...]
    z = (pv[0] + pv[1] + base[...]) * disv
    o = jnp.dot(z, W[...], preferred_element_type=jnp.float32,
                precision=lax.Precision.HIGHEST) + b[...][None, :]
    mu_ref[...] = o[:, :OUT]
    ls_ref[...] = o[:, OUT:]


_tc_final = pl.pallas_call(
    _tc_final_body,
    grid=(G,),
    in_specs=_Y_SPECS + [
        pl.BlockSpec((R, C), lambda i: (i, 0)),
        pl.BlockSpec((R, 1), lambda i: (i, 0)),
        pl.BlockSpec((C, C), lambda i: (0, 0)),
        pl.BlockSpec((C,), lambda i: (0,)),
    ],
    out_specs=[
        pl.BlockSpec((R, OUT), lambda i: (i, 0)),
        pl.BlockSpec((R, OUT), lambda i: (i, 0)),
    ],
    out_shape=[
        jax.ShapeDtypeStruct((N, OUT), jnp.float32),
        jax.ShapeDtypeStruct((N, OUT), jnp.float32),
    ],
)


def kernel(x, edge_index, W1, b1, W_mu, b_mu, W_ls, b_ls):
    ei = edge_index.astype(jnp.int32)
    src, dst = ei[0], ei[1]
    pad = E_PAD - src.shape[0]
    src_f = jnp.concatenate([src, jnp.zeros((pad,), jnp.int32)])
    dst_f = jnp.concatenate([dst, jnp.full((pad,), N, jnp.int32)])
    dst_p = dst_f.reshape(NW, CH, CHUNK)
    nchunks = E_PAD // CHUNK
    ei_p = jnp.stack([src_f.reshape(nchunks, CHUNK),
                      dst_f.reshape(nchunks, CHUNK)],
                     axis=1).reshape(NW, CH, 2, CHUNK)

    degp = _sc_deg(dst_p)
    d0 = degp[0, :N, 0:1]
    d1 = degp[1, :N, 0:1]
    xs, dis = _tc_prescale(d0, d1, x)

    y1 = _sc_agg(xs, ei_p)
    hs = _tc_mid(y1, xs, dis, W1, b1)

    y2 = _sc_agg(hs, ei_p)
    Wc = jnp.concatenate([W_mu, W_ls], axis=1)
    bc = jnp.concatenate([b_mu, b_ls])
    mu, ls = _tc_final(y2, hs, dis, Wc, bc)
    return mu, ls

# --- scband reference (transcript-rebuilt; emitter-appended) ---
"""Pipeline reference for scband-encoder-15951508538252 (READ-ONLY COPY).

The authoritative reference and input builder live on the scoring server;
editing this copy changes nothing except your own understanding.
"""

import jax, jax.numpy as jnp
import numpy as np

N_NODES = 10000
IN_CH = 128
HID_CH = 128
OUT_CH = 64
N_EDGES = 320000


def gcn_conv(x, edge_index, W, b):
    N = x.shape[0]
    src = edge_index[0]
    dst = edge_index[1]
    # add self loops (PyG GCNConv default add_self_loops=True)
    loop = jnp.arange(N, dtype=src.dtype)
    src = jnp.concatenate([src, loop])
    dst = jnp.concatenate([dst, loop])
    # linear transform first (PyG applies lin before propagate)
    h = x @ W
    # symmetric normalization from in-degree over augmented edges
    deg = jnp.zeros((N,), dtype=x.dtype).at[dst].add(1.0)
    deg_inv_sqrt = jnp.where(deg > 0, jax.lax.rsqrt(deg), 0.0)
    norm = deg_inv_sqrt[src] * deg_inv_sqrt[dst]
    msg = h[src] * norm[:, None]
    out = jnp.zeros((N, W.shape[1]), dtype=x.dtype).at[dst].add(msg)
    return out + b


def setup_inputs(seed: int = 0) -> dict:
    key = jax.random.key(seed)
    k_x, k_e, k1, k2, k3 = jax.random.split(key, 5)
    x = jax.random.normal(k_x, (N_NODES, IN_CH), dtype=jnp.float32)
    edge_index = jax.random.randint(k_e, (2, N_EDGES), 0, N_NODES, dtype=jnp.int64)
    W1 = jax.random.normal(k1, (IN_CH, HID_CH), dtype=jnp.float32) * (1.0 / np.sqrt(IN_CH))
    b1 = jnp.zeros((HID_CH,), dtype=jnp.float32)
    W_mu = jax.random.normal(k2, (HID_CH, OUT_CH), dtype=jnp.float32) * (1.0 / np.sqrt(HID_CH))
    b_mu = jnp.zeros((OUT_CH,), dtype=jnp.float32)
    W_ls = jax.random.normal(k3, (HID_CH, OUT_CH), dtype=jnp.float32) * (1.0 / np.sqrt(HID_CH))
    b_ls = jnp.zeros((OUT_CH,), dtype=jnp.float32)
    return {"x": x, "edge_index": edge_index, "W1": W1, "b1": b1,
            "W_mu": W_mu, "b_mu": b_mu, "W_ls": W_ls, "b_ls": b_ls}


def reference(x, edge_index, W1, b1, W_mu, b_mu, W_ls, b_ls):
    h = gcn_conv(x, edge_index, W1, b1)
    h = jax.nn.relu(h)
    mu = gcn_conv(h, edge_index, W_mu, b_mu)
    logstd = gcn_conv(h, edge_index, W_ls, b_ls)
    return (mu, logstd)

if __name__ == "__main__":
    import jax
    _d = setup_inputs()
    print(jax.jit(kernel)(*tuple(_d.values())))

</pallas_src>

<mosaic_0001>
#map = affine_map<(d0, d1) -> (0, 0)>
#map1 = affine_map<(d0, d1) -> (0, 0, 0, 0)>
#map2 = affine_map<(d0, d1) -> (0, 0, 0)>
module attributes {stable_mosaic.version = 14 : i64} {
  func.func @_sc_agg_body(%arg0: i32, %arg1: i32, %arg2: memref<10000x128xf32, #tpu.memory_space<hbm>>, %arg3: memref<32x79x2x128xi32, #tpu.memory_space<hbm>>, %arg4: memref<2x10112x128xf32, #tpu.memory_space<hbm>>, %arg5: memref<2x128xi32, #tpu.memory_space<vmem>>, %arg6: memref<2x128xi32, #tpu.memory_space<vmem>>, %arg7: memref<2x128xi32, #tpu.memory_space<vmem>>, %arg8: memref<128x128xf32, #tpu.memory_space<vmem>>, %arg9: memref<128x128xf32, #tpu.memory_space<vmem>>, %arg10: memref<128x128xf32, #tpu.memory_space<vmem>>, %arg11: memref<!tpu.dma_semaphore, #tpu.memory_space<semaphore_mem>>, %arg12: memref<!tpu.dma_semaphore, #tpu.memory_space<semaphore_mem>>, %arg13: memref<!tpu.dma_semaphore, #tpu.memory_space<semaphore_mem>>, %arg14: memref<!tpu.dma_semaphore, #tpu.memory_space<semaphore_mem>>, %arg15: memref<!tpu.dma_semaphore, #tpu.memory_space<semaphore_mem>>, %arg16: memref<!tpu.dma_semaphore, #tpu.memory_space<semaphore_mem>>, %arg17: memref<10112x128xf32, #tpu.memory_space<vmem_shared>>) attributes {dimension_semantics = [#tpu.dimension_semantics<core_parallel>, #tpu.dimension_semantics<subcore_parallel>], iteration_bounds = array<i64: 2, 16>, scalar_prefetch = 0 : i64, scratch_operands = 13 : i64, tpu.core_type = #tpu.core_type<sc_vector_subcore>, window_params = [{transform_indices = #map}, {transform_indices = #map1}, {transform_indices = #map2}]} {
    %mul3A = arith.constant 16 : i32
    %mul3A_0 = arith.muli %arg0, %mul3A : i32
    %add3A = arith.addi %mul3A_0, %arg1 : i32
    %scan3A = arith.constant 0 : i32
    %scan3A_1 = arith.constant 0 : i32
    %scan3A_2 = arith.constant 128 : i32
    %scan3A_3 = arith.addi %scan3A_1, %scan3A_2 : i32
    %scan3A_4 = arith.constant 1 : i32
    %scan3A_5 = scf.for %scan3A_94 = %scan3A_1 to %scan3A_3 step %scan3A_4 iter_args(%scan3A_95 = %scan3A) -> (i32)  : i32 {
      %scan3A_96 = arith.constant 0 : i32
      %scan3A_97 = arith.constant 0 : i32
      %scan3A_98 = arith.constant 8 : i32
      %scan3A_99 = arith.addi %scan3A_97, %scan3A_98 : i32
      %scan3A_100 = arith.constant 1 : i32
      %scan3A_101 = scf.for %scan3A_103 = %scan3A_97 to %scan3A_99 step %scan3A_100 iter_args(%scan3A_104 = %scan3A_96) -> (i32)  : i32 {
        %broadcast_in_dim3A = arith.constant 0.000000e+00 : f32
        %broadcast_in_dim3A_105 = vector.broadcast %broadcast_in_dim3A : f32 to vector<16xf32>
        %mul3A_106 = arith.constant 16 : i32
        %mul3A_107 = arith.muli %scan3A_103, %mul3A_106 : i32
        %swap3A = arith.index_cast %scan3A_94 : i32 to index
        %swap3A_108 = arith.index_cast %mul3A_107 : i32 to index
        %swap3A_109 = tpu.vector_load %arg8[%swap3A, %swap3A_108] {strides = array<i32>} : memref<128x128xf32, #tpu.memory_space<vmem>>, vector<1x16xf32>,
        %swap3A_110 = vector.shape_cast %swap3A_109 : vector<1x16xf32> to vector<16xf32>
        %swap3A_111 = vector.shape_cast %broadcast_in_dim3A_105 : vector<16xf32> to vector<1x16xf32>
        tpu.vector_store %arg8[%swap3A, %swap3A_108], %swap3A_111 {strides = array<i32>} : memref<128x128xf32, #tpu.memory_space<vmem>>, vector<1x16xf32>,
        %scan3A_112 = arith.constant 0 : i32
        scf.yield %scan3A_112 : i32
      }
      %scan3A_102 = arith.constant 8 : i32
      scf.yield %scan3A_101 : i32
    }
    %scan3A_6 = arith.constant 128 : i32
    %scan3A_7 = arith.constant 0 : i32
    %scan3A_8 = arith.constant 0 : i32
    %scan3A_9 = arith.constant 4 : i32
    %scan3A_10 = arith.addi %scan3A_8, %scan3A_9 : i32
    %scan3A_11 = arith.constant 1 : i32
    %scan3A_12 = scf.for %scan3A_94 = %scan3A_8 to %scan3A_10 step %scan3A_11 iter_args(%scan3A_95 = %scan3A_7) -> (i32)  : i32 {
      %mul3A_96 = arith.constant 632 : i32
      %mul3A_97 = arith.muli %arg1, %mul3A_96 : i32
      %mul3A_98 = arith.constant 128 : i32
      %mul3A_99 = arith.muli %scan3A_94, %mul3A_98 : i32
      %add3A_100 = arith.addi %mul3A_97, %mul3A_99 : i32
      "tpu.region"() ({
        %run_scoped3A_102 = tpu.sem_alloc : memref<!tpu.dma_semaphore, #tpu.memory_space<semaphore_mem>>
        %dma_start3A_103 = arith.constant 0 : i32
        %dma_start3A_104 = tpu.memref_slice %arg17[%add3A_100, %dma_start3A_103] : memref<10112x128xf32, #tpu.memory_space<vmem_shared>> -> memref<128x128xf32, #tpu.memory_space<vmem_shared>>
        %dma_start3A_105 = arith.constant 0 : i32
        %dma_start3A_106 = tpu.memref_slice %arg17[%add3A_100, %dma_start3A_105] : memref<10112x128xf32, #tpu.memory_space<vmem_shared>> -> memref<128x128xf32, #tpu.memory_space<vmem_shared>>
        tpu.enqueue_dma source(%arg8 : memref<128x128xf32, #tpu.memory_space<vmem>>) target(%dma_start3A_106 : memref<128x128xf32, #tpu.memory_space<vmem_shared>>) target_semaphore(%run_scoped3A_102 : memref<!tpu.dma_semaphore, #tpu.memory_space<semaphore_mem>>)
        %dma_wait3A_107 = arith.constant 0 : i32
        %dma_wait3A_108 = tpu.memref_slice %arg17[%add3A_100, %dma_wait3A_107] : memref<10112x128xf32, #tpu.memory_space<vmem_shared>> -> memref<128x128xf32, #tpu.memory_space<vmem_shared>>
        %dma_wait3A_109 = arith.constant 0 : i32
        %dma_wait3A_110 = tpu.memref_slice %arg17[%add3A_100, %dma_wait3A_109] : memref<10112x128xf32, #tpu.memory_space<vmem_shared>> -> memref<128x128xf32, #tpu.memory_space<vmem_shared>>
        tpu.wait_dma2 semaphore(%run_scoped3A_102 : memref<!tpu.dma_semaphore, #tpu.memory_space<semaphore_mem>>) src(%arg8 : memref<128x128xf32, #tpu.memory_space<vmem>>) dst(%dma_wait3A_110 : memref<128x128xf32, #tpu.memory_space<vmem_shared>>)
        tpu.yield
      }) : () -> ()
      %scan3A_101 = arith.constant 0 : i32
      scf.yield %scan3A_101 : i32
    }
    %scan3A_13 = arith.constant 4 : i32
    %mul3A_14 = arith.constant 632 : i32
    %mul3A_15 = arith.muli %arg1, %mul3A_14 : i32
    %add3A_16 = arith.constant 512 : i32
    %add3A_17 = arith.addi %mul3A_15, %add3A_16 : i32
    "tpu.region"() ({
      %run_scoped3A_94 = tpu.sem_alloc : memref<!tpu.dma_semaphore, #tpu.memory_space<semaphore_mem>>
      %dma_start3A_95 = arith.constant 0 : i32
      %dma_start3A_96 = arith.constant 0 : i32
      %dma_start3A_97 = tpu.memref_slice %arg8[%dma_start3A_95, %dma_start3A_96] : memref<128x128xf32, #tpu.memory_space<vmem>> -> memref<120x128xf32, #tpu.memory_space<vmem>>
      %dma_start3A_98 = arith.constant 0 : i32
      %dma_start3A_99 = tpu.memref_slice %arg17[%add3A_17, %dma_start3A_98] : memref<10112x128xf32, #tpu.memory_space<vmem_shared>> -> memref<120x128xf32, #tpu.memory_space<vmem_shared>>
      %dma_start3A_100 = arith.constant 0 : i32
      %dma_start3A_101 = tpu.memref_slice %arg17[%add3A_17, %dma_start3A_100] : memref<10112x128xf32, #tpu.memory_space<vmem_shared>> -> memref<120x128xf32, #tpu.memory_space<vmem_shared>>
      %dma_start3A_102 = arith.constant 0 : i32
      %dma_start3A_103 = arith.constant 0 : i32
      %dma_start3A_104 = tpu.memref_slice %arg8[%dma_start3A_102, %dma_start3A_103] : memref<128x128xf32, #tpu.memory_space<vmem>> -> memref<120x128xf32, #tpu.memory_space<vmem>>
      tpu.enqueue_dma source(%dma_start3A_104 : memref<120x128xf32, #tpu.memory_space<vmem>>) target(%dma_start3A_101 : memref<120x128xf32, #tpu.memory_space<vmem_shared>>) target_semaphore(%run_scoped3A_94 : memref<!tpu.dma_semaphore, #tpu.memory_space<semaphore_mem>>)
      %dma_wait3A_105 = arith.constant 0 : i32
      %dma_wait3A_106 = arith.constant 0 : i32
      %dma_wait3A_107 = tpu.memref_slice %arg8[%dma_wait3A_105, %dma_wait3A_106] : memref<128x128xf32, #tpu.memory_space<vmem>> -> memref<120x128xf32, #tpu.memory_space<vmem>>
      %dma_wait3A_108 = arith.constant 0 : i32
      %dma_wait3A_109 = tpu.memref_slice %arg17[%add3A_17, %dma_wait3A_108] : memref<10112x128xf32, #tpu.memory_space<vmem_shared>> -> memref<120x128xf32, #tpu.memory_space<vmem_shared>>
      %dma_wait3A_110 = arith.constant 0 : i32
      %dma_wait3A_111 = tpu.memref_slice %arg17[%add3A_17, %dma_wait3A_110] : memref<10112x128xf32, #tpu.memory_space<vmem_shared>> -> memref<120x128xf32, #tpu.memory_space<vmem_shared>>
      %dma_wait3A_112 = arith.constant 0 : i32
      %dma_wait3A_113 = arith.constant 0 : i32
      %dma_wait3A_114 = tpu.memref_slice %arg8[%dma_wait3A_112, %dma_wait3A_113] : memref<128x128xf32, #tpu.memory_space<vmem>> -> memref<120x128xf32, #tpu.memory_space<vmem>>
      tpu.wait_dma2 semaphore(%run_scoped3A_94 : memref<!tpu.dma_semaphore, #tpu.memory_space<semaphore_mem>>) src(%dma_wait3A_114 : memref<120x128xf32, #tpu.memory_space<vmem>>) dst(%dma_wait3A_111 : memref<120x128xf32, #tpu.memory_space<vmem_shared>>)
      tpu.yield
    }) : () -> ()
    %barrier3A = arith.constant 0 : index
    tpu.barrier barrier_id(%barrier3A)
    %dma_start3A = arith.constant 0 : i32
    %dma_start3A_18 = arith.constant 0 : i32
    %dma_start3A_19 = arith.constant 0 : i32
    %dma_start3A_20 = tpu.memref_slice %arg3[%add3A, %dma_start3A, %dma_start3A_18, %dma_start3A_19] : memref<32x79x2x128xi32, #tpu.memory_space<hbm>> -> memref<1x1x2x128xi32, #tpu.memory_space<hbm>>
    %dma_start3A_21 = tpu.memref_squeeze %dma_start3A_20 : memref<1x1x2x128xi32, #tpu.memory_space<hbm>> -> memref<2x128xi32, #tpu.memory_space<hbm>>
    %dma_start3A_22 = arith.constant 0 : i32
    %dma_start3A_23 = arith.constant 0 : i32
    %dma_start3A_24 = tpu.memref_slice %arg3[%add3A, %dma_start3A, %dma_start3A_22, %dma_start3A_23] : memref<32x79x2x128xi32, #tpu.memory_space<hbm>> -> memref<1x1x2x128xi32, #tpu.memory_space<hbm>>
    %dma_start3A_25 = tpu.memref_squeeze %dma_start3A_24 : memref<1x1x2x128xi32, #tpu.memory_space<hbm>> -> memref<2x128xi32, #tpu.memory_space<hbm>>
    tpu.enqueue_dma source(%dma_start3A_25 : memref<2x128xi32, #tpu.memory_space<hbm>>) target(%arg5 : memref<2x128xi32, #tpu.memory_space<vmem>>) target_semaphore(%arg14 : memref<!tpu.dma_semaphore, #tpu.memory_space<semaphore_mem>>)
    %dma_wait3A = arith.constant 0 : i32
    %dma_wait3A_26 = arith.constant 0 : i32
    %dma_wait3A_27 = arith.constant 0 : i32
    %dma_wait3A_28 = tpu.memref_slice %arg3[%add3A, %dma_wait3A, %dma_wait3A_26, %dma_wait3A_27] : memref<32x79x2x128xi32, #tpu.memory_space<hbm>> -> memref<1x1x2x128xi32, #tpu.memory_space<hbm>>
    %dma_wait3A_29 = tpu.memref_squeeze %dma_wait3A_28 : memref<1x1x2x128xi32, #tpu.memory_space<hbm>> -> memref<2x128xi32, #tpu.memory_space<hbm>>
    %dma_wait3A_30 = arith.constant 0 : i32
    %dma_wait3A_31 = arith.constant 0 : i32
    %dma_wait3A_32 = tpu.memref_slice %arg3[%add3A, %dma_wait3A, %dma_wait3A_30, %dma_wait3A_31] : memref<32x79x2x128xi32, #tpu.memory_space<hbm>> -> memref<1x1x2x128xi32, #tpu.memory_space<hbm>>
    %dma_wait3A_33 = tpu.memref_squeeze %dma_wait3A_32 : memref<1x1x2x128xi32, #tpu.memory_space<hbm>> -> memref<2x128xi32, #tpu.memory_space<hbm>>
    tpu.wait_dma2 semaphore(%arg14 : memref<!tpu.dma_semaphore, #tpu.memory_space<semaphore_mem>>) src(%dma_wait3A_33 : memref<2x128xi32, #tpu.memory_space<hbm>>) dst(%arg5 : memref<2x128xi32, #tpu.memory_space<vmem>>)
    %dma_start3A_34 = arith.constant 0 : i32
    %dma_start3A_35 = arith.constant 0 : i32
    %dma_start3A_36 = tpu.memref_slice %arg5[%dma_start3A_34, %dma_start3A_35] : memref<2x128xi32, #tpu.memory_space<vmem>> -> memref<1x128xi32, #tpu.memory_space<vmem>>
    %dma_start3A_37 = tpu.memref_squeeze %dma_start3A_36 : memref<1x128xi32, #tpu.memory_space<vmem>> -> memref<128xi32, #tpu.memory_space<vmem>>
    %dma_start3A_38 = arith.constant 0 : i32
    %dma_start3A_39 = arith.constant 0 : i32
    %dma_start3A_40 = tpu.memref_slice %arg2[%dma_start3A_38, %dma_start3A_39] : memref<10000x128xf32, #tpu.memory_space<hbm>> -> memref<10000x128xf32, #tpu.memory_space<hbm>>
    tpu.enqueue_indirect_dma source(%dma_start3A_40 : memref<10000x128xf32, #tpu.memory_space<hbm>>) target(%arg8 : memref<128x128xf32, #tpu.memory_space<vmem>>) offsets(%dma_start3A_37 : memref<128xi32, #tpu.memory_space<vmem>>) semaphore(%arg11 : memref<!tpu.dma_semaphore, #tpu.memory_space<semaphore_mem>>)
    %dma_start3A_41 = arith.constant 1 : i32
    %dma_start3A_42 = arith.constant 0 : i32
    %dma_start3A_43 = arith.constant 0 : i32
    %dma_start3A_44 = tpu.memref_slice %arg3[%add3A, %dma_start3A_41, %dma_start3A_42, %dma_start3A_43] : memref<32x79x2x128xi32, #tpu.memory_space<hbm>> -> memref<1x1x2x128xi32, #tpu.memory_space<hbm>>
    %dma_start3A_45 = tpu.memref_squeeze %dma_start3A_44 : memref<1x1x2x128xi32, #tpu.memory_space<hbm>> -> memref<2x128xi32, #tpu.memory_space<hbm>>
    %dma_start3A_46 = arith.constant 0 : i32
    %dma_start3A_47 = arith.constant 0 : i32
    %dma_start3A_48 = tpu.memref_slice %arg3[%add3A, %dma_start3A_41, %dma_start3A_46, %dma_start3A_47] : memref<32x79x2x128xi32, #tpu.memory_space<hbm>> -> memref<1x1x2x128xi32, #tpu.memory_space<hbm>>
    %dma_start3A_49 = tpu.memref_squeeze %dma_start3A_48 : memref<1x1x2x128xi32, #tpu.memory_space<hbm>> -> memref<2x128xi32, #tpu.memory_space<hbm>>
    tpu.enqueue_dma source(%dma_start3A_49 : memref<2x128xi32, #tpu.memory_space<hbm>>) target(%arg6 : memref<2x128xi32, #tpu.memory_space<vmem>>) target_semaphore(%arg15 : memref<!tpu.dma_semaphore, #tpu.memory_space<semaphore_mem>>)
    %dma_wait3A_50 = arith.constant 1 : i32
    %dma_wait3A_51 = arith.constant 0 : i32
    %dma_wait3A_52 = arith.constant 0 : i32
    %dma_wait3A_53 = tpu.memref_slice %arg3[%add3A, %dma_wait3A_50, %dma_wait3A_51, %dma_wait3A_52] : memref<32x79x2x128xi32, #tpu.memory_space<hbm>> -> memref<1x1x2x128xi32, #tpu.memory_space<hbm>>
    %dma_wait3A_54 = tpu.memref_squeeze %dma_wait3A_53 : memref<1x1x2x128xi32, #tpu.memory_space<hbm>> -> memref<2x128xi32, #tpu.memory_space<hbm>>
    %dma_wait3A_55 = arith.constant 0 : i32
    %dma_wait3A_56 = arith.constant 0 : i32
    %dma_wait3A_57 = tpu.memref_slice %arg3[%add3A, %dma_wait3A_50, %dma_wait3A_55, %dma_wait3A_56] : memref<32x79x2x128xi32, #tpu.memory_space<hbm>> -> memref<1x1x2x128xi32, #tpu.memory_space<hbm>>
    %dma_wait3A_58 = tpu.memref_squeeze %dma_wait3A_57 : memref<1x1x2x128xi32, #tpu.memory_space<hbm>> -> memref<2x128xi32, #tpu.memory_space<hbm>>
    tpu.wait_dma2 semaphore(%arg15 : memref<!tpu.dma_semaphore, #tpu.memory_space<semaphore_mem>>) src(%dma_wait3A_58 : memref<2x128xi32, #tpu.memory_space<hbm>>) dst(%arg6 : memref<2x128xi32, #tpu.memory_space<vmem>>)
    %dma_start3A_59 = arith.constant 0 : i32
    %dma_start3A_60 = arith.constant 0 : i32
    %dma_start3A_61 = tpu.memref_slice %arg6[%dma_start3A_59, %dma_start3A_60] : memref<2x128xi32, #tpu.memory_space<vmem>> -> memref<1x128xi32, #tpu.memory_space<vmem>>
    %dma_start3A_62 = tpu.memref_squeeze %dma_start3A_61 : memref<1x128xi32, #tpu.memory_space<vmem>> -> memref<128xi32, #tpu.memory_space<vmem>>
    %dma_start3A_63 = arith.constant 0 : i32
    %dma_start3A_64 = arith.constant 0 : i32
    %dma_start3A_65 = tpu.memref_slice %arg2[%dma_start3A_63, %dma_start3A_64] : memref<10000x128xf32, #tpu.memory_space<hbm>> -> memref<10000x128xf32, #tpu.memory_space<hbm>>
    tpu.enqueue_indirect_dma source(%dma_start3A_65 : memref<10000x128xf32, #tpu.memory_space<hbm>>) target(%arg9 : memref<128x128xf32, #tpu.memory_space<vmem>>) offsets(%dma_start3A_62 : memref<128xi32, #tpu.memory_space<vmem>>) semaphore(%arg12 : memref<!tpu.dma_semaphore, #tpu.memory_space<semaphore_mem>>)
    %dma_start3A_66 = arith.constant 2 : i32
    %dma_start3A_67 = arith.constant 0 : i32
    %dma_start3A_68 = arith.constant 0 : i32
    %dma_start3A_69 = tpu.memref_slice %arg3[%add3A, %dma_start3A_66, %dma_start3A_67, %dma_start3A_68] : memref<32x79x2x128xi32, #tpu.memory_space<hbm>> -> memref<1x1x2x128xi32, #tpu.memory_space<hbm>>
    %dma_start3A_70 = tpu.memref_squeeze %dma_start3A_69 : memref<1x1x2x128xi32, #tpu.memory_space<hbm>> -> memref<2x128xi32, #tpu.memory_space<hbm>>
    %dma_start3A_71 = arith.constant 0 : i32
    %dma_start3A_72 = arith.constant 0 : i32
    %dma_start3A_73 = tpu.memref_slice %arg3[%add3A, %dma_start3A_66, %dma_start3A_71, %dma_start3A_72] : memref<32x79x2x128xi32, #tpu.memory_space<hbm>> -> memref<1x1x2x128xi32, #tpu.memory_space<hbm>>
    %dma_start3A_74 = tpu.memref_squeeze %dma_start3A_73 : memref<1x1x2x128xi32, #tpu.memory_space<hbm>> -> memref<2x128xi32, #tpu.memory_space<hbm>>
    tpu.enqueue_dma source(%dma_start3A_74 : memref<2x128xi32, #tpu.memory_space<hbm>>) target(%arg7 : memref<2x128xi32, #tpu.memory_space<vmem>>) target_semaphore(%arg16 : memref<!tpu.dma_semaphore, #tpu.memory_space<semaphore_mem>>)
    %scan3A_75 = arith.constant 0 : i32
    %scan3A_76 = arith.constant 0 : i32
    %scan3A_77 = arith.constant 26 : i32
    %scan3A_78 = arith.addi %scan3A_76, %scan3A_77 : i32
    %scan3A_79 = arith.constant 1 : i32
    %scan3A_80 = scf.for %scan3A_94 = %scan3A_76 to %scan3A_78 step %scan3A_79 iter_args(%scan3A_95 = %scan3A_75) -> (i32)  : i32 {
      %mul3A_96 = arith.constant 3 : i32
      %mul3A_97 = arith.muli %mul3A_96, %scan3A_94 : i32
      %add3A_98 = arith.constant 2 : i32
      %add3A_99 = arith.addi %mul3A_97, %add3A_98 : i32
      %lt3A = arith.constant 79 : i32
      %lt3A_100 = arith.cmpi slt, %add3A_99, %lt3A : i32
      %convert_element_type3A = arith.extui %lt3A_100 : i1 to i32
      %cond3A = arith.constant 0 : i32
      %cond3A_101 = arith.cmpi ne, %convert_element_type3A, %cond3A : i32
      scf.if %cond3A_101 {
        %dma_wait3A_166 = arith.constant 0 : i32
        %dma_wait3A_167 = arith.constant 0 : i32
        %dma_wait3A_168 = arith.constant 0 : i32
        %dma_wait3A_169 = tpu.memref_slice %arg3[%add3A, %dma_wait3A_166, %dma_wait3A_167, %dma_wait3A_168] : memref<32x79x2x128xi32, #tpu.memory_space<hbm>> -> memref<1x1x2x128xi32, #tpu.memory_space<hbm>>
        %dma_wait3A_170 = tpu.memref_squeeze %dma_wait3A_169 : memref<1x1x2x128xi32, #tpu.memory_space<hbm>> -> memref<2x128xi32, #tpu.memory_space<hbm>>
        %dma_wait3A_171 = arith.constant 0 : i32
        %dma_wait3A_172 = arith.constant 0 : i32
        %dma_wait3A_173 = tpu.memref_slice %arg3[%add3A, %dma_wait3A_166, %dma_wait3A_171, %dma_wait3A_172] : memref<32x79x2x128xi32, #tpu.memory_space<hbm>> -> memref<1x1x2x128xi32, #tpu.memory_space<hbm>>
        %dma_wait3A_174 = tpu.memref_squeeze %dma_wait3A_173 : memref<1x1x2x128xi32, #tpu.memory_space<hbm>> -> memref<2x128xi32, #tpu.memory_space<hbm>>
        tpu.wait_dma2 semaphore(%arg16 : memref<!tpu.dma_semaphore, #tpu.memory_space<semaphore_mem>>) src(%dma_wait3A_174 : memref<2x128xi32, #tpu.memory_space<hbm>>) dst(%arg7 : memref<2x128xi32, #tpu.memory_space<vmem>>)
        %dma_start3A_175 = arith.constant 0 : i32
        %dma_start3A_176 = arith.constant 0 : i32
        %dma_start3A_177 = tpu.memref_slice %arg7[%dma_start3A_175, %dma_start3A_176] : memref<2x128xi32, #tpu.memory_space<vmem>> -> memref<1x128xi32, #tpu.memory_space<vmem>>
        %dma_start3A_178 = tpu.memref_squeeze %dma_start3A_177 : memref<1x128xi32, #tpu.memory_space<vmem>> -> memref<128xi32, #tpu.memory_space<vmem>>
        %dma_start3A_179 = arith.constant 0 : i32
        %dma_start3A_180 = arith.constant 0 : i32
        %dma_start3A_181 = tpu.memref_slice %arg2[%dma_start3A_179, %dma_start3A_180] : memref<10000x128xf32, #tpu.memory_space<hbm>> -> memref<10000x128xf32, #tpu.memory_space<hbm>>
        tpu.enqueue_indirect_dma source(%dma_start3A_181 : memref<10000x128xf32, #tpu.memory_space<hbm>>) target(%arg10 : memref<128x128xf32, #tpu.memory_space<vmem>>) offsets(%dma_start3A_178 : memref<128xi32, #tpu.memory_space<vmem>>) semaphore(%arg13 : memref<!tpu.dma_semaphore, #tpu.memory_space<semaphore_mem>>)
      } else {
      }
      %dma_wait3A_102 = arith.constant 0 : i32
      %dma_wait3A_103 = arith.constant 0 : i32
      %dma_wait3A_104 = tpu.memref_slice %arg5[%dma_wait3A_102, %dma_wait3A_103] : memref<2x128xi32, #tpu.memory_space<vmem>> -> memref<1x128xi32, #tpu.memory_space<vmem>>
      %dma_wait3A_105 = tpu.memref_squeeze %dma_wait3A_104 : memref<1x128xi32, #tpu.memory_space<vmem>> -> memref<128xi32, #tpu.memory_space<vmem>>
      %dma_wait3A_106 = arith.constant 0 : i32
      %dma_wait3A_107 = arith.constant 0 : i32
      %dma_wait3A_108 = tpu.memref_slice %arg2[%dma_wait3A_106, %dma_wait3A_107] : memref<10000x128xf32, #tpu.memory_space<hbm>> -> memref<10000x128xf32, #tpu.memory_space<hbm>>
      tpu.wait_indirect_dma semaphore(%arg11 : memref<!tpu.dma_semaphore, #tpu.memory_space<semaphore_mem>>) src(%dma_wait3A_108 : memref<10000x128xf32, #tpu.memory_space<hbm>>) dst(%arg8 : memref<128x128xf32, #tpu.memory_space<vmem>>)
      %run_scoped3A_109 = arith.constant 1 : i32
      "tpu.region"() ({
        %run_scoped3A_166 = tpu.sem_alloc : memref<!tpu.dma_semaphore, #tpu.memory_space<semaphore_mem>>
        %dma_start3A_167 = arith.constant 0 : i32
        %dma_start3A_168 = tpu.memref_slice %arg5[%run_scoped3A_109, %dma_start3A_167] : memref<2x128xi32, #tpu.memory_space<vmem>> -> memref<1x128xi32, #tpu.memory_space<vmem>>
        %dma_start3A_169 = tpu.memref_squeeze %dma_start3A_168 : memref<1x128xi32, #tpu.memory_space<vmem>> -> memref<128xi32, #tpu.memory_space<vmem>>
        %dma_start3A_170 = arith.constant 0 : i32
        %dma_start3A_171 = arith.constant 0 : i32
        %dma_start3A_172 = tpu.memref_slice %arg17[%dma_start3A_170, %dma_start3A_171] : memref<10112x128xf32, #tpu.memory_space<vmem_shared>> -> memref<10112x128xf32, #tpu.memory_space<vmem_shared>>
        tpu.enqueue_indirect_dma source(%arg8 : memref<128x128xf32, #tpu.memory_space<vmem>>) target(%dma_start3A_172 : memref<10112x128xf32, #tpu.memory_space<vmem_shared>>) offsets(%dma_start3A_169 : memref<128xi32, #tpu.memory_space<vmem>>) semaphore(%run_scoped3A_166 : memref<!tpu.dma_semaphore, #tpu.memory_space<semaphore_mem>>) {add = true}
        %dma_wait3A_173 = arith.constant 0 : i32
        %dma_wait3A_174 = tpu.memref_slice %arg5[%run_scoped3A_109, %dma_wait3A_173] : memref<2x128xi32, #tpu.memory_space<vmem>> -> memref<1x128xi32, #tpu.memory_space<vmem>>
        %dma_wait3A_175 = tpu.memref_squeeze %dma_wait3A_174 : memref<1x128xi32, #tpu.memory_space<vmem>> -> memref<128xi32, #tpu.memory_space<vmem>>
        %dma_wait3A_176 = arith.constant 0 : i32
        %dma_wait3A_177 = arith.constant 0 : i32
        %dma_wait3A_178 = tpu.memref_slice %arg17[%dma_wait3A_176, %dma_wait3A_177] : memref<10112x128xf32, #tpu.memory_space<vmem_shared>> -> memref<10112x128xf32, #tpu.memory_space<vmem_shared>>
        tpu.wait_indirect_dma semaphore(%run_scoped3A_166 : memref<!tpu.dma_semaphore, #tpu.memory_space<semaphore_mem>>) src(%arg8 : memref<128x128xf32, #tpu.memory_space<vmem>>) dst(%dma_wait3A_178 : memref<10112x128xf32, #tpu.memory_space<vmem_shared>>)
        tpu.yield
      }) : () -> ()
      %add3A_110 = arith.constant 3 : i32
      %add3A_111 = arith.addi %mul3A_97, %add3A_110 : i32
      %lt3A_112 = arith.constant 79 : i32
      %lt3A_113 = arith.cmpi slt, %add3A_111, %lt3A_112 : i32
      %convert_element_type3A_114 = arith.extui %lt3A_113 : i1 to i32
      %cond3A_115 = arith.constant 0 : i32
      %cond3A_116 = arith.cmpi ne, %convert_element_type3A_114, %cond3A_115 : i32
      scf.if %cond3A_116 {
        %add3A_166 = arith.constant 3 : i32
        %add3A_167 = arith.addi %mul3A_97, %add3A_166 : i32
        %dma_start3A_168 = arith.constant 0 : i32
        %dma_start3A_169 = arith.constant 0 : i32
        %dma_start3A_170 = tpu.memref_slice %arg3[%add3A, %add3A_167, %dma_start3A_168, %dma_start3A_169] : memref<32x79x2x128xi32, #tpu.memory_space<hbm>> -> memref<1x1x2x128xi32, #tpu.memory_space<hbm>>
        %dma_start3A_171 = tpu.memref_squeeze %dma_start3A_170 : memref<1x1x2x128xi32, #tpu.memory_space<hbm>> -> memref<2x128xi32, #tpu.memory_space<hbm>>
        %dma_start3A_172 = arith.constant 0 : i32
        %dma_start3A_173 = arith.constant 0 : i32
        %dma_start3A_174 = tpu.memref_slice %arg3[%add3A, %add3A_167, %dma_start3A_172, %dma_start3A_173] : memref<32x79x2x128xi32, #tpu.memory_space<hbm>> -> memref<1x1x2x128xi32, #tpu.memory_space<hbm>>
        %dma_start3A_175 = tpu.memref_squeeze %dma_start3A_174 : memref<1x1x2x128xi32, #tpu.memory_space<hbm>> -> memref<2x128xi32, #tpu.memory_space<hbm>>
        tpu.enqueue_dma source(%dma_start3A_175 : memref<2x128xi32, #tpu.memory_space<hbm>>) target(%arg5 : memref<2x128xi32, #tpu.memory_space<vmem>>) target_semaphore(%arg14 : memref<!tpu.dma_semaphore, #tpu.memory_space<semaphore_mem>>)
      } else {
      }
      %add3A_117 = arith.constant 1 : i32
      %add3A_118 = arith.addi %mul3A_97, %add3A_117 : i32
      %add3A_119 = arith.constant 2 : i32
      %add3A_120 = arith.addi %add3A_118, %add3A_119 : i32
      %lt3A_121 = arith.constant 79 : i32
      %lt3A_122 = arith.cmpi slt, %add3A_120, %lt3A_121 : i32
      %convert_element_type3A_123 = arith.extui %lt3A_122 : i1 to i32
      %cond3A_124 = arith.constant 0 : i32
      %cond3A_125 = arith.cmpi ne, %convert_element_type3A_123, %cond3A_124 : i32
      scf.if %cond3A_125 {
        %dma_wait3A_166 = arith.constant 0 : i32
        %dma_wait3A_167 = arith.constant 0 : i32
        %dma_wait3A_168 = arith.constant 0 : i32
        %dma_wait3A_169 = tpu.memref_slice %arg3[%add3A, %dma_wait3A_166, %dma_wait3A_167, %dma_wait3A_168] : memref<32x79x2x128xi32, #tpu.memory_space<hbm>> -> memref<1x1x2x128xi32, #tpu.memory_space<hbm>>
        %dma_wait3A_170 = tpu.memref_squeeze %dma_wait3A_169 : memref<1x1x2x128xi32, #tpu.memory_space<hbm>> -> memref<2x128xi32, #tpu.memory_space<hbm>>
        %dma_wait3A_171 = arith.constant 0 : i32
        %dma_wait3A_172 = arith.constant 0 : i32
        %dma_wait3A_173 = tpu.memref_slice %arg3[%add3A, %dma_wait3A_166, %dma_wait3A_171, %dma_wait3A_172] : memref<32x79x2x128xi32, #tpu.memory_space<hbm>> -> memref<1x1x2x128xi32, #tpu.memory_space<hbm>>
        %dma_wait3A_174 = tpu.memref_squeeze %dma_wait3A_173 : memref<1x1x2x128xi32, #tpu.memory_space<hbm>> -> memref<2x128xi32, #tpu.memory_space<hbm>>
        tpu.wait_dma2 semaphore(%arg14 : memref<!tpu.dma_semaphore, #tpu.memory_space<semaphore_mem>>) src(%dma_wait3A_174 : memref<2x128xi32, #tpu.memory_space<hbm>>) dst(%arg5 : memref<2x128xi32, #tpu.memory_space<vmem>>)
        %dma_start3A_175 = arith.constant 0 : i32
        %dma_start3A_176 = arith.constant 0 : i32
        %dma_start3A_177 = tpu.memref_slice %arg5[%dma_start3A_175, %dma_start3A_176] : memref<2x128xi32, #tpu.memory_space<vmem>> -> memref<1x128xi32, #tpu.memory_space<vmem>>
        %dma_start3A_178 = tpu.memref_squeeze %dma_start3A_177 : memref<1x128xi32, #tpu.memory_space<vmem>> -> memref<128xi32, #tpu.memory_space<vmem>>
        %dma_start3A_179 = arith.constant 0 : i32
        %dma_start3A_180 = arith.constant 0 : i32
        %dma_start3A_181 = tpu.memref_slice %arg2[%dma_start3A_179, %dma_start3A_180] : memref<10000x128xf32, #tpu.memory_space<hbm>> -> memref<10000x128xf32, #tpu.memory_space<hbm>>
        tpu.enqueue_indirect_dma source(%dma_start3A_181 : memref<10000x128xf32, #tpu.memory_space<hbm>>) target(%arg8 : memref<128x128xf32, #tpu.memory_space<vmem>>) offsets(%dma_start3A_178 : memref<128xi32, #tpu.memory_space<vmem>>) semaphore(%arg11 : memref<!tpu.dma_semaphore, #tpu.memory_space<semaphore_mem>>)
      } else {
      }
      %dma_wait3A_126 = arith.constant 0 : i32
      %dma_wait3A_127 = arith.constant 0 : i32
      %dma_wait3A_128 = tpu.memref_slice %arg6[%dma_wait3A_126, %dma_wait3A_127] : memref<2x128xi32, #tpu.memory_space<vmem>> -> memref<1x128xi32, #tpu.memory_space<vmem>>
      %dma_wait3A_129 = tpu.memref_squeeze %dma_wait3A_128 : memref<1x128xi32, #tpu.memory_space<vmem>> -> memref<128xi32, #tpu.memory_space<vmem>>
      %dma_wait3A_130 = arith.constant 0 : i32
      %dma_wait3A_131 = arith.constant 0 : i32
      %dma_wait3A_132 = tpu.memref_slice %arg2[%dma_wait3A_130, %dma_wait3A_131] : memref<10000x128xf32, #tpu.memory_space<hbm>> -> memref<10000x128xf32, #tpu.memory_space<hbm>>
      tpu.wait_indirect_dma semaphore(%arg12 : memref<!tpu.dma_semaphore, #tpu.memory_space<semaphore_mem>>) src(%dma_wait3A_132 : memref<10000x128xf32, #tpu.memory_space<hbm>>) dst(%arg9 : memref<128x128xf32, #tpu.memory_space<vmem>>)
      %run_scoped3A_133 = arith.constant 1 : i32
      "tpu.region"() ({
        %run_scoped3A_166 = tpu.sem_alloc : memref<!tpu.dma_semaphore, #tpu.memory_space<semaphore_mem>>
        %dma_start3A_167 = arith.constant 0 : i32
        %dma_start3A_168 = tpu.memref_slice %arg6[%run_scoped3A_133, %dma_start3A_167] : memref<2x128xi32, #tpu.memory_space<vmem>> -> memref<1x128xi32, #tpu.memory_space<vmem>>
        %dma_start3A_169 = tpu.memref_squeeze %dma_start3A_168 : memref<1x128xi32, #tpu.memory_space<vmem>> -> memref<128xi32, #tpu.memory_space<vmem>>
        %dma_start3A_170 = arith.constant 0 : i32
        %dma_start3A_171 = arith.constant 0 : i32
        %dma_start3A_172 = tpu.memref_slice %arg17[%dma_start3A_170, %dma_start3A_171] : memref<10112x128xf32, #tpu.memory_space<vmem_shared>> -> memref<10112x128xf32, #tpu.memory_space<vmem_shared>>
        tpu.enqueue_indirect_dma source(%arg9 : memref<128x128xf32, #tpu.memory_space<vmem>>) target(%dma_start3A_172 : memref<10112x128xf32, #tpu.memory_space<vmem_shared>>) offsets(%dma_start3A_169 : memref<128xi32, #tpu.memory_space<vmem>>) semaphore(%run_scoped3A_166 : memref<!tpu.dma_semaphore, #tpu.memory_space<semaphore_mem>>) {add = true}
        %dma_wait3A_173 = arith.constant 0 : i32
        %dma_wait3A_174 = tpu.memref_slice %arg6[%run_scoped3A_133, %dma_wait3A_173] : memref<2x128xi32, #tpu.memory_space<vmem>> -> memref<1x128xi32, #tpu.memory_space<vmem>>
        %dma_wait3A_175 = tpu.memref_squeeze %dma_wait3A_174 : memref<1x128xi32, #tpu.memory_space<vmem>> -> memref<128xi32, #tpu.memory_space<vmem>>
        %dma_wait3A_176 = arith.constant 0 : i32
        %dma_wait3A_177 = arith.constant 0 : i32
        %dma_wait3A_178 = tpu.memref_slice %arg17[%dma_wait3A_176, %dma_wait3A_177] : memref<10112x128xf32, #tpu.memory_space<vmem_shared>> -> memref<10112x128xf32, #tpu.memory_space<vmem_shared>>
        tpu.wait_indirect_dma semaphore(%run_scoped3A_166 : memref<!tpu.dma_semaphore, #tpu.memory_space<semaphore_mem>>) src(%arg9 : memref<128x128xf32, #tpu.memory_space<vmem>>) dst(%dma_wait3A_178 : memref<10112x128xf32, #tpu.memory_space<vmem_shared>>)
        tpu.yield
      }) : () -> ()
      %add3A_134 = arith.constant 3 : i32
      %add3A_135 = arith.addi %add3A_118, %add3A_134 : i32
      %lt3A_136 = arith.constant 79 : i32
      %lt3A_137 = arith.cmpi slt, %add3A_135, %lt3A_136 : i32
      %convert_element_type3A_138 = arith.extui %lt3A_137 : i1 to i32
      %cond3A_139 = arith.constant 0 : i32
      %cond3A_140 = arith.cmpi ne, %convert_element_type3A_138, %cond3A_139 : i32
      scf.if %cond3A_140 {
        %add3A_166 = arith.constant 3 : i32
        %add3A_167 = arith.addi %add3A_118, %add3A_166 : i32
        %dma_start3A_168 = arith.constant 0 : i32
        %dma_start3A_169 = arith.constant 0 : i32
        %dma_start3A_170 = tpu.memref_slice %arg3[%add3A, %add3A_167, %dma_start3A_168, %dma_start3A_169] : memref<32x79x2x128xi32, #tpu.memory_space<hbm>> -> memref<1x1x2x128xi32, #tpu.memory_space<hbm>>
        %dma_start3A_171 = tpu.memref_squeeze %dma_start3A_170 : memref<1x1x2x128xi32, #tpu.memory_space<hbm>> -> memref<2x128xi32, #tpu.memory_space<hbm>>
        %dma_start3A_172 = arith.constant 0 : i32
        %dma_start3A_173 = arith.constant 0 : i32
        %dma_start3A_174 = tpu.memref_slice %arg3[%add3A, %add3A_167, %dma_start3A_172, %dma_start3A_173] : memref<32x79x2x128xi32, #tpu.memory_space<hbm>> -> memref<1x1x2x128xi32, #tpu.memory_space<hbm>>
        %dma_start3A_175 = tpu.memref_squeeze %dma_start3A_174 : memref<1x1x2x128xi32, #tpu.memory_space<hbm>> -> memref<2x128xi32, #tpu.memory_space<hbm>>
        tpu.enqueue_dma source(%dma_start3A_175 : memref<2x128xi32, #tpu.memory_space<hbm>>) target(%arg6 : memref<2x128xi32, #tpu.memory_space<vmem>>) target_semaphore(%arg15 : memref<!tpu.dma_semaphore, #tpu.memory_space<semaphore_mem>>)
      } else {
      }
      %add3A_141 = arith.constant 2 : i32
      %add3A_142 = arith.addi %mul3A_97, %add3A_141 : i32
      %add3A_143 = arith.constant 2 : i32
      %add3A_144 = arith.addi %add3A_142, %add3A_143 : i32
      %lt3A_145 = arith.constant 79 : i32
      %lt3A_146 = arith.cmpi slt, %add3A_144, %lt3A_145 : i32
      %convert_element_type3A_147 = arith.extui %lt3A_146 : i1 to i32
      %cond3A_148 = arith.constant 0 : i32
      %cond3A_149 = arith.cmpi ne, %convert_element_type3A_147, %cond3A_148 : i32
      scf.if %cond3A_149 {
        %dma_wait3A_166 = arith.constant 0 : i32
        %dma_wait3A_167 = arith.constant 0 : i32
        %dma_wait3A_168 = arith.constant 0 : i32
        %dma_wait3A_169 = tpu.memref_slice %arg3[%add3A, %dma_wait3A_166, %dma_wait3A_167, %dma_wait3A_168] : memref<32x79x2x128xi32, #tpu.memory_space<hbm>> -> memref<1x1x2x128xi32, #tpu.memory_space<hbm>>
        %dma_wait3A_170 = tpu.memref_squeeze %dma_wait3A_169 : memref<1x1x2x128xi32, #tpu.memory_space<hbm>> -> memref<2x128xi32, #tpu.memory_space<hbm>>
        %dma_wait3A_171 = arith.constant 0 : i32
        %dma_wait3A_172 = arith.constant 0 : i32
        %dma_wait3A_173 = tpu.memref_slice %arg3[%add3A, %dma_wait3A_166, %dma_wait3A_171, %dma_wait3A_172] : memref<32x79x2x128xi32, #tpu.memory_space<hbm>> -> memref<1x1x2x128xi32, #tpu.memory_space<hbm>>
        %dma_wait3A_174 = tpu.memref_squeeze %dma_wait3A_173 : memref<1x1x2x128xi32, #tpu.memory_space<hbm>> -> memref<2x128xi32, #tpu.memory_space<hbm>>
        tpu.wait_dma2 semaphore(%arg15 : memref<!tpu.dma_semaphore, #tpu.memory_space<semaphore_mem>>) src(%dma_wait3A_174 : memref<2x128xi32, #tpu.memory_space<hbm>>) dst(%arg6 : memref<2x128xi32, #tpu.memory_space<vmem>>)
        %dma_start3A_175 = arith.constant 0 : i32
        %dma_start3A_176 = arith.constant 0 : i32
        %dma_start3A_177 = tpu.memref_slice %arg6[%dma_start3A_175, %dma_start3A_176] : memref<2x128xi32, #tpu.memory_space<vmem>> -> memref<1x128xi32, #tpu.memory_space<vmem>>
        %dma_start3A_178 = tpu.memref_squeeze %dma_start3A_177 : memref<1x128xi32, #tpu.memory_space<vmem>> -> memref<128xi32, #tpu.memory_space<vmem>>
        %dma_start3A_179 = arith.constant 0 : i32
        %dma_start3A_180 = arith.constant 0 : i32
        %dma_start3A_181 = tpu.memref_slice %arg2[%dma_start3A_179, %dma_start3A_180] : memref<10000x128xf32, #tpu.memory_space<hbm>> -> memref<10000x128xf32, #tpu.memory_space<hbm>>
        tpu.enqueue_indirect_dma source(%dma_start3A_181 : memref<10000x128xf32, #tpu.memory_space<hbm>>) target(%arg9 : memref<128x128xf32, #tpu.memory_space<vmem>>) offsets(%dma_start3A_178 : memref<128xi32, #tpu.memory_space<vmem>>) semaphore(%arg12 : memref<!tpu.dma_semaphore, #tpu.memory_space<semaphore_mem>>)
      } else {
      }
      %dma_wait3A_150 = arith.constant 0 : i32
      %dma_wait3A_151 = arith.constant 0 : i32
      %dma_wait3A_152 = tpu.memref_slice %arg7[%dma_wait3A_150, %dma_wait3A_151] : memref<2x128xi32, #tpu.memory_space<vmem>> -> memref<1x128xi32, #tpu.memory_space<vmem>>
      %dma_wait3A_153 = tpu.memref_squeeze %dma_wait3A_152 : memref<1x128xi32, #tpu.memory_space<vmem>> -> memref<128xi32, #tpu.memory_space<vmem>>
      %dma_wait3A_154 = arith.constant 0 : i32
      %dma_wait3A_155 = arith.constant 0 : i32
      %dma_wait3A_156 = tpu.memref_slice %arg2[%dma_wait3A_154, %dma_wait3A_155] : memref<10000x128xf32, #tpu.memory_space<hbm>> -> memref<10000x128xf32, #tpu.memory_space<hbm>>
      tpu.wait_indirect_dma semaphore(%arg13 : memref<!tpu.dma_semaphore, #tpu.memory_space<semaphore_mem>>) src(%dma_wait3A_156 : memref<10000x128xf32, #tpu.memory_space<hbm>>) dst(%arg10 : memref<128x128xf32, #tpu.memory_space<vmem>>)
      %run_scoped3A_157 = arith.constant 1 : i32
      "tpu.region"() ({
        %run_scoped3A_166 = tpu.sem_alloc : memref<!tpu.dma_semaphore, #tpu.memory_space<semaphore_mem>>
        %dma_start3A_167 = arith.constant 0 : i32
        %dma_start3A_168 = tpu.memref_slice %arg7[%run_scoped3A_157, %dma_start3A_167] : memref<2x128xi32, #tpu.memory_space<vmem>> -> memref<1x128xi32, #tpu.memory_space<vmem>>
        %dma_start3A_169 = tpu.memref_squeeze %dma_start3A_168 : memref<1x128xi32, #tpu.memory_space<vmem>> -> memref<128xi32, #tpu.memory_space<vmem>>
        %dma_start3A_170 = arith.constant 0 : i32
        %dma_start3A_171 = arith.constant 0 : i32
        %dma_start3A_172 = tpu.memref_slice %arg17[%dma_start3A_170, %dma_start3A_171] : memref<10112x128xf32, #tpu.memory_space<vmem_shared>> -> memref<10112x128xf32, #tpu.memory_space<vmem_shared>>
        tpu.enqueue_indirect_dma source(%arg10 : memref<128x128xf32, #tpu.memory_space<vmem>>) target(%dma_start3A_172 : memref<10112x128xf32, #tpu.memory_space<vmem_shared>>) offsets(%dma_start3A_169 : memref<128xi32, #tpu.memory_space<vmem>>) semaphore(%run_scoped3A_166 : memref<!tpu.dma_semaphore, #tpu.memory_space<semaphore_mem>>) {add = true}
        %dma_wait3A_173 = arith.constant 0 : i32
        %dma_wait3A_174 = tpu.memref_slice %arg7[%run_scoped3A_157, %dma_wait3A_173] : memref<2x128xi32, #tpu.memory_space<vmem>> -> memref<1x128xi32, #tpu.memory_space<vmem>>
        %dma_wait3A_175 = tpu.memref_squeeze %dma_wait3A_174 : memref<1x128xi32, #tpu.memory_space<vmem>> -> memref<128xi32, #tpu.memory_space<vmem>>
        %dma_wait3A_176 = arith.constant 0 : i32
        %dma_wait3A_177 = arith.constant 0 : i32
        %dma_wait3A_178 = tpu.memref_slice %arg17[%dma_wait3A_176, %dma_wait3A_177] : memref<10112x128xf32, #tpu.memory_space<vmem_shared>> -> memref<10112x128xf32, #tpu.memory_space<vmem_shared>>
        tpu.wait_indirect_dma semaphore(%run_scoped3A_166 : memref<!tpu.dma_semaphore, #tpu.memory_space<semaphore_mem>>) src(%arg10 : memref<128x128xf32, #tpu.memory_space<vmem>>) dst(%dma_wait3A_178 : memref<10112x128xf32, #tpu.memory_space<vmem_shared>>)
        tpu.yield
      }) : () -> ()
      %add3A_158 = arith.constant 3 : i32
      %add3A_159 = arith.addi %add3A_142, %add3A_158 : i32
      %lt3A_160 = arith.constant 79 : i32
      %lt3A_161 = arith.cmpi slt, %add3A_159, %lt3A_160 : i32
      %convert_element_type3A_162 = arith.extui %lt3A_161 : i1 to i32
      %cond3A_163 = arith.constant 0 : i32
      %cond3A_164 = arith.cmpi ne, %convert_element_type3A_162, %cond3A_163 : i32
      scf.if %cond3A_164 {
        %add3A_166 = arith.constant 3 : i32
        %add3A_167 = arith.addi %add3A_142, %add3A_166 : i32
        %dma_start3A_168 = arith.constant 0 : i32
        %dma_start3A_169 = arith.constant 0 : i32
        %dma_start3A_170 = tpu.memref_slice %arg3[%add3A, %add3A_167, %dma_start3A_168, %dma_start3A_169] : memref<32x79x2x128xi32, #tpu.memory_space<hbm>> -> memref<1x1x2x128xi32, #tpu.memory_space<hbm>>
        %dma_start3A_171 = tpu.memref_squeeze %dma_start3A_170 : memref<1x1x2x128xi32, #tpu.memory_space<hbm>> -> memref<2x128xi32, #tpu.memory_space<hbm>>
        %dma_start3A_172 = arith.constant 0 : i32
        %dma_start3A_173 = arith.constant 0 : i32
        %dma_start3A_174 = tpu.memref_slice %arg3[%add3A, %add3A_167, %dma_start3A_172, %dma_start3A_173] : memref<32x79x2x128xi32, #tpu.memory_space<hbm>> -> memref<1x1x2x128xi32, #tpu.memory_space<hbm>>
        %dma_start3A_175 = tpu.memref_squeeze %dma_start3A_174 : memref<1x1x2x128xi32, #tpu.memory_space<hbm>> -> memref<2x128xi32, #tpu.memory_space<hbm>>
        tpu.enqueue_dma source(%dma_start3A_175 : memref<2x128xi32, #tpu.memory_space<hbm>>) target(%arg7 : memref<2x128xi32, #tpu.memory_space<vmem>>) target_semaphore(%arg16 : memref<!tpu.dma_semaphore, #tpu.memory_space<semaphore_mem>>)
      } else {
      }
      %scan3A_165 = arith.constant 0 : i32
      scf.yield %scan3A_165 : i32
    }
    %scan3A_81 = arith.constant 26 : i32
    %dma_wait3A_82 = arith.constant 0 : i32
    %dma_wait3A_83 = arith.constant 0 : i32
    %dma_wait3A_84 = tpu.memref_slice %arg5[%dma_wait3A_82, %dma_wait3A_83] : memref<2x128xi32, #tpu.memory_space<vmem>> -> memref<1x128xi32, #tpu.memory_space<vmem>>
    %dma_wait3A_85 = tpu.memref_squeeze %dma_wait3A_84 : memref<1x128xi32, #tpu.memory_space<vmem>> -> memref<128xi32, #tpu.memory_space<vmem>>
    %dma_wait3A_86 = arith.constant 0 : i32
    %dma_wait3A_87 = arith.constant 0 : i32
    %dma_wait3A_88 = tpu.memref_slice %arg2[%dma_wait3A_86, %dma_wait3A_87] : memref<10000x128xf32, #tpu.memory_space<hbm>> -> memref<10000x128xf32, #tpu.memory_space<hbm>>
    tpu.wait_indirect_dma semaphore(%arg11 : memref<!tpu.dma_semaphore, #tpu.memory_space<semaphore_mem>>) src(%dma_wait3A_88 : memref<10000x128xf32, #tpu.memory_space<hbm>>) dst(%arg8 : memref<128x128xf32, #tpu.memory_space<vmem>>)
    %run_scoped3A = arith.constant 1 : i32
    "tpu.region"() ({
      %run_scoped3A_94 = tpu.sem_alloc : memref<!tpu.dma_semaphore, #tpu.memory_space<semaphore_mem>>
      %dma_start3A_95 = arith.constant 0 : i32
      %dma_start3A_96 = tpu.memref_slice %arg5[%run_scoped3A, %dma_start3A_95] : memref<2x128xi32, #tpu.memory_space<vmem>> -> memref<1x128xi32, #tpu.memory_space<vmem>>
      %dma_start3A_97 = tpu.memref_squeeze %dma_start3A_96 : memref<1x128xi32, #tpu.memory_space<vmem>> -> memref<128xi32, #tpu.memory_space<vmem>>
      %dma_start3A_98 = arith.constant 0 : i32
      %dma_start3A_99 = arith.constant 0 : i32
      %dma_start3A_100 = tpu.memref_slice %arg17[%dma_start3A_98, %dma_start3A_99] : memref<10112x128xf32, #tpu.memory_space<vmem_shared>> -> memref<10112x128xf32, #tpu.memory_space<vmem_shared>>
      tpu.enqueue_indirect_dma source(%arg8 : memref<128x128xf32, #tpu.memory_space<vmem>>) target(%dma_start3A_100 : memref<10112x128xf32, #tpu.memory_space<vmem_shared>>) offsets(%dma_start3A_97 : memref<128xi32, #tpu.memory_space<vmem>>) semaphore(%run_scoped3A_94 : memref<!tpu.dma_semaphore, #tpu.memory_space<semaphore_mem>>) {add = true}
      %dma_wait3A_101 = arith.constant 0 : i32
      %dma_wait3A_102 = tpu.memref_slice %arg5[%run_scoped3A, %dma_wait3A_101] : memref<2x128xi32, #tpu.memory_space<vmem>> -> memref<1x128xi32, #tpu.memory_space<vmem>>
      %dma_wait3A_103 = tpu.memref_squeeze %dma_wait3A_102 : memref<1x128xi32, #tpu.memory_space<vmem>> -> memref<128xi32, #tpu.memory_space<vmem>>
      %dma_wait3A_104 = arith.constant 0 : i32
      %dma_wait3A_105 = arith.constant 0 : i32
      %dma_wait3A_106 = tpu.memref_slice %arg17[%dma_wait3A_104, %dma_wait3A_105] : memref<10112x128xf32, #tpu.memory_space<vmem_shared>> -> memref<10112x128xf32, #tpu.memory_space<vmem_shared>>
      tpu.wait_indirect_dma semaphore(%run_scoped3A_94 : memref<!tpu.dma_semaphore, #tpu.memory_space<semaphore_mem>>) src(%arg8 : memref<128x128xf32, #tpu.memory_space<vmem>>) dst(%dma_wait3A_106 : memref<10112x128xf32, #tpu.memory_space<vmem_shared>>)
      tpu.yield
    }) : () -> ()
    %barrier3A_89 = arith.constant 0 : index
    tpu.barrier barrier_id(%barrier3A_89)
    %mul3A_90 = arith.constant 632 : i32
    %mul3A_91 = arith.muli %arg1, %mul3A_90 : i32
    %mul3A_92 = arith.constant 632 : i32
    %mul3A_93 = arith.muli %arg1, %mul3A_92 : i32
    "tpu.region"() ({
      %run_scoped3A_94 = tpu.sem_alloc : memref<!tpu.dma_semaphore, #tpu.memory_space<semaphore_mem>>
      %dma_start3A_95 = arith.constant 0 : i32
      %dma_start3A_96 = tpu.memref_slice %arg4[%arg0, %mul3A_93, %dma_start3A_95] : memref<2x10112x128xf32, #tpu.memory_space<hbm>> -> memref<1x632x128xf32, #tpu.memory_space<hbm>>
      %dma_start3A_97 = tpu.memref_squeeze %dma_start3A_96 : memref<1x632x128xf32, #tpu.memory_space<hbm>> -> memref<632x128xf32, #tpu.memory_space<hbm>>
      %dma_start3A_98 = arith.constant 0 : i32
      %dma_start3A_99 = tpu.memref_slice %arg17[%mul3A_91, %dma_start3A_98] : memref<10112x128xf32, #tpu.memory_space<vmem_shared>> -> memref<632x128xf32, #tpu.memory_space<vmem_shared>>
      tpu.enqueue_dma source(%dma_start3A_99 : memref<632x128xf32, #tpu.memory_space<vmem_shared>>) target(%dma_start3A_97 : memref<632x128xf32, #tpu.memory_space<hbm>>) target_semaphore(%run_scoped3A_94 : memref<!tpu.dma_semaphore, #tpu.memory_space<semaphore_mem>>)
      %dma_wait3A_100 = arith.constant 0 : i32
      %dma_wait3A_101 = tpu.memref_slice %arg4[%arg0, %mul3A_93, %dma_wait3A_100] : memref<2x10112x128xf32, #tpu.memory_space<hbm>> -> memref<1x632x128xf32, #tpu.memory_space<hbm>>
      %dma_wait3A_102 = tpu.memref_squeeze %dma_wait3A_101 : memref<1x632x128xf32, #tpu.memory_space<hbm>> -> memref<632x128xf32, #tpu.memory_space<hbm>>
      %dma_wait3A_103 = arith.constant 0 : i32
      %dma_wait3A_104 = tpu.memref_slice %arg17[%mul3A_91, %dma_wait3A_103] : memref<10112x128xf32, #tpu.memory_space<vmem_shared>> -> memref<632x128xf32, #tpu.memory_space<vmem_shared>>
      tpu.wait_dma2 semaphore(%run_scoped3A_94 : memref<!tpu.dma_semaphore, #tpu.memory_space<semaphore_mem>>) src(%dma_wait3A_104 : memref<632x128xf32, #tpu.memory_space<vmem_shared>>) dst(%dma_wait3A_102 : memref<632x128xf32, #tpu.memory_space<hbm>>)
      tpu.yield
    }) : () -> ()
    return
  }
}

#map = affine_map<(d0, d1) -> (0, 0, 0)>
module attributes {stable_mosaic.version = 14 : i64} {
  func.func @_sc_deg_body(%arg0: i32, %arg1: i32, %arg2: memref<32x79x128xi32, #tpu.memory_space<hbm>>, %arg3: memref<2x10112x16xf32, #tpu.memory_space<hbm>>, %arg4: memref<79x128xi32, #tpu.memory_space<vmem>>, %arg5: memref<128x16xf32, #tpu.memory_space<vmem>>, %arg6: memref<128x16xf32, #tpu.memory_space<vmem>>, %arg7: memref<10112x16xf32, #tpu.memory_space<vmem_shared>>) attributes {dimension_semantics = [#tpu.dimension_semantics<core_parallel>, #tpu.dimension_semantics<subcore_parallel>], iteration_bounds = array<i64: 2, 16>, scalar_prefetch = 0 : i64, scratch_operands = 4 : i64, tpu.core_type = #tpu.core_type<sc_vector_subcore>, window_params = [{transform_indices = #map}, {transform_indices = #map}]} {
    %mul3A = arith.constant 16 : i32
    %mul3A_0 = arith.muli %arg0, %mul3A : i32
    %add3A = arith.addi %mul3A_0, %arg1 : i32
    %scan3A = arith.constant 0 : i32
    %scan3A_1 = arith.constant 0 : i32
    %scan3A_2 = arith.constant 128 : i32
    %scan3A_3 = arith.addi %scan3A_1, %scan3A_2 : i32
    %scan3A_4 = arith.constant 1 : i32
    %scan3A_5 = scf.for %scan3A_37 = %scan3A_1 to %scan3A_3 step %scan3A_4 iter_args(%scan3A_38 = %scan3A) -> (i32)  : i32 {
      %scan3A_39 = arith.constant 0 : i32
      %scan3A_40 = arith.constant 0 : i32
      %broadcast_in_dim3A = arith.constant 0.000000e+00 : f32
      %broadcast_in_dim3A_41 = vector.broadcast %broadcast_in_dim3A : f32 to vector<16xf32>
      %mul3A_42 = arith.constant 16 : i32
      %mul3A_43 = arith.muli %scan3A_40, %mul3A_42 : i32
      %swap3A = arith.index_cast %scan3A_37 : i32 to index
      %swap3A_44 = arith.index_cast %mul3A_43 : i32 to index
      %swap3A_45 = tpu.vector_load %arg6[%swap3A, %swap3A_44] {strides = array<i32>} : memref<128x16xf32, #tpu.memory_space<vmem>>, vector<1x16xf32>,
      %swap3A_46 = vector.shape_cast %swap3A_45 : vector<1x16xf32> to vector<16xf32>
      %swap3A_47 = vector.shape_cast %broadcast_in_dim3A_41 : vector<16xf32> to vector<1x16xf32>
      tpu.vector_store %arg6[%swap3A, %swap3A_44], %swap3A_47 {strides = array<i32>} : memref<128x16xf32, #tpu.memory_space<vmem>>, vector<1x16xf32>,
      %scan3A_48 = arith.constant 0 : i32
      %scan3A_49 = arith.constant 1 : i32
      scf.yield %scan3A_48 : i32
    }
    %scan3A_6 = arith.constant 128 : i32
    %scan3A_7 = arith.constant 0 : i32
    %scan3A_8 = arith.constant 0 : i32
    %scan3A_9 = arith.constant 128 : i32
    %scan3A_10 = arith.addi %scan3A_8, %scan3A_9 : i32
    %scan3A_11 = arith.constant 1 : i32
    %scan3A_12 = scf.for %scan3A_37 = %scan3A_8 to %scan3A_10 step %scan3A_11 iter_args(%scan3A_38 = %scan3A_7) -> (i32)  : i32 {
      %broadcast_in_dim3A = arith.constant 1.000000e+00 : f32
      %broadcast_in_dim3A_39 = vector.broadcast %broadcast_in_dim3A : f32 to vector<16xf32>
      %swap3A = arith.index_cast %scan3A_37 : i32 to index
      %swap3A_40 = arith.constant 0 : index
      %swap3A_41 = tpu.vector_load %arg5[%swap3A, %swap3A_40] {strides = array<i32>} : memref<128x16xf32, #tpu.memory_space<vmem>>, vector<1x16xf32>,
      %swap3A_42 = vector.shape_cast %swap3A_41 : vector<1x16xf32> to vector<16xf32>
      %swap3A_43 = vector.shape_cast %broadcast_in_dim3A_39 : vector<16xf32> to vector<1x16xf32>
      tpu.vector_store %arg5[%swap3A, %swap3A_40], %swap3A_43 {strides = array<i32>} : memref<128x16xf32, #tpu.memory_space<vmem>>, vector<1x16xf32>,
      %scan3A_44 = arith.constant 0 : i32
      scf.yield %scan3A_44 : i32
    }
    %scan3A_13 = arith.constant 128 : i32
    %scan3A_14 = arith.constant 0 : i32
    %scan3A_15 = arith.constant 0 : i32
    %scan3A_16 = arith.constant 4 : i32
    %scan3A_17 = arith.addi %scan3A_15, %scan3A_16 : i32
    %scan3A_18 = arith.constant 1 : i32
    %scan3A_19 = scf.for %scan3A_37 = %scan3A_15 to %scan3A_17 step %scan3A_18 iter_args(%scan3A_38 = %scan3A_14) -> (i32)  : i32 {
      %mul3A_39 = arith.constant 632 : i32
      %mul3A_40 = arith.muli %arg1, %mul3A_39 : i32
      %mul3A_41 = arith.constant 128 : i32
      %mul3A_42 = arith.muli %scan3A_37, %mul3A_41 : i32
      %add3A_43 = arith.addi %mul3A_40, %mul3A_42 : i32
      "tpu.region"() ({
        %run_scoped3A = tpu.sem_alloc : memref<!tpu.dma_semaphore, #tpu.memory_space<semaphore_mem>>
        %dma_start3A = arith.constant 0 : i32
        %dma_start3A_45 = tpu.memref_slice %arg7[%add3A_43, %dma_start3A] : memref<10112x16xf32, #tpu.memory_space<vmem_shared>> -> memref<128x16xf32, #tpu.memory_space<vmem_shared>>
        %dma_start3A_46 = arith.constant 0 : i32
        %dma_start3A_47 = tpu.memref_slice %arg7[%add3A_43, %dma_start3A_46] : memref<10112x16xf32, #tpu.memory_space<vmem_shared>> -> memref<128x16xf32, #tpu.memory_space<vmem_shared>>
        tpu.enqueue_dma source(%arg6 : memref<128x16xf32, #tpu.memory_space<vmem>>) target(%dma_start3A_47 : memref<128x16xf32, #tpu.memory_space<vmem_shared>>) target_semaphore(%run_scoped3A : memref<!tpu.dma_semaphore, #tpu.memory_space<semaphore_mem>>)
        %dma_wait3A = arith.constant 0 : i32
        %dma_wait3A_48 = tpu.memref_slice %arg7[%add3A_43, %dma_wait3A] : memref<10112x16xf32, #tpu.memory_space<vmem_shared>> -> memref<128x16xf32, #tpu.memory_space<vmem_shared>>
        %dma_wait3A_49 = arith.constant 0 : i32
        %dma_wait3A_50 = tpu.memref_slice %arg7[%add3A_43, %dma_wait3A_49] : memref<10112x16xf32, #tpu.memory_space<vmem_shared>> -> memref<128x16xf32, #tpu.memory_space<vmem_shared>>
        tpu.wait_dma2 semaphore(%run_scoped3A : memref<!tpu.dma_semaphore, #tpu.memory_space<semaphore_mem>>) src(%arg6 : memref<128x16xf32, #tpu.memory_space<vmem>>) dst(%dma_wait3A_50 : memref<128x16xf32, #tpu.memory_space<vmem_shared>>)
        tpu.yield
      }) : () -> ()
      %scan3A_44 = arith.constant 0 : i32
      scf.yield %scan3A_44 : i32
    }
    %scan3A_20 = arith.constant 4 : i32
    %mul3A_21 = arith.constant 632 : i32
    %mul3A_22 = arith.muli %arg1, %mul3A_21 : i32
    %add3A_23 = arith.constant 512 : i32
    %add3A_24 = arith.addi %mul3A_22, %add3A_23 : i32
    "tpu.region"() ({
      %run_scoped3A = tpu.sem_alloc : memref<!tpu.dma_semaphore, #tpu.memory_space<semaphore_mem>>
      %dma_start3A = arith.constant 0 : i32
      %dma_start3A_37 = arith.constant 0 : i32
      %dma_start3A_38 = tpu.memref_slice %arg6[%dma_start3A, %dma_start3A_37] : memref<128x16xf32, #tpu.memory_space<vmem>> -> memref<120x16xf32, #tpu.memory_space<vmem>>
      %dma_start3A_39 = arith.constant 0 : i32
      %dma_start3A_40 = tpu.memref_slice %arg7[%add3A_24, %dma_start3A_39] : memref<10112x16xf32, #tpu.memory_space<vmem_shared>> -> memref<120x16xf32, #tpu.memory_space<vmem_shared>>
      %dma_start3A_41 = arith.constant 0 : i32
      %dma_start3A_42 = tpu.memref_slice %arg7[%add3A_24, %dma_start3A_41] : memref<10112x16xf32, #tpu.memory_space<vmem_shared>> -> memref<120x16xf32, #tpu.memory_space<vmem_shared>>
      %dma_start3A_43 = arith.constant 0 : i32
      %dma_start3A_44 = arith.constant 0 : i32
      %dma_start3A_45 = tpu.memref_slice %arg6[%dma_start3A_43, %dma_start3A_44] : memref<128x16xf32, #tpu.memory_space<vmem>> -> memref<120x16xf32, #tpu.memory_space<vmem>>
      tpu.enqueue_dma source(%dma_start3A_45 : memref<120x16xf32, #tpu.memory_space<vmem>>) target(%dma_start3A_42 : memref<120x16xf32, #tpu.memory_space<vmem_shared>>) target_semaphore(%run_scoped3A : memref<!tpu.dma_semaphore, #tpu.memory_space<semaphore_mem>>)
      %dma_wait3A = arith.constant 0 : i32
      %dma_wait3A_46 = arith.constant 0 : i32
      %dma_wait3A_47 = tpu.memref_slice %arg6[%dma_wait3A, %dma_wait3A_46] : memref<128x16xf32, #tpu.memory_space<vmem>> -> memref<120x16xf32, #tpu.memory_space<vmem>>
      %dma_wait3A_48 = arith.constant 0 : i32
      %dma_wait3A_49 = tpu.memref_slice %arg7[%add3A_24, %dma_wait3A_48] : memref<10112x16xf32, #tpu.memory_space<vmem_shared>> -> memref<120x16xf32, #tpu.memory_space<vmem_shared>>
      %dma_wait3A_50 = arith.constant 0 : i32
      %dma_wait3A_51 = tpu.memref_slice %arg7[%add3A_24, %dma_wait3A_50] : memref<10112x16xf32, #tpu.memory_space<vmem_shared>> -> memref<120x16xf32, #tpu.memory_space<vmem_shared>>
      %dma_wait3A_52 = arith.constant 0 : i32
      %dma_wait3A_53 = arith.constant 0 : i32
      %dma_wait3A_54 = tpu.memref_slice %arg6[%dma_wait3A_52, %dma_wait3A_53] : memref<128x16xf32, #tpu.memory_space<vmem>> -> memref<120x16xf32, #tpu.memory_space<vmem>>
      tpu.wait_dma2 semaphore(%run_scoped3A : memref<!tpu.dma_semaphore, #tpu.memory_space<semaphore_mem>>) src(%dma_wait3A_54 : memref<120x16xf32, #tpu.memory_space<vmem>>) dst(%dma_wait3A_51 : memref<120x16xf32, #tpu.memory_space<vmem_shared>>)
      tpu.yield
    }) : () -> ()
    "tpu.region"() ({
      %run_scoped3A = tpu.sem_alloc : memref<!tpu.dma_semaphore, #tpu.memory_space<semaphore_mem>>
      %dma_start3A = arith.constant 0 : i32
      %dma_start3A_37 = arith.constant 0 : i32
      %dma_start3A_38 = tpu.memref_slice %arg2[%add3A, %dma_start3A, %dma_start3A_37] : memref<32x79x128xi32, #tpu.memory_space<hbm>> -> memref<1x79x128xi32, #tpu.memory_space<hbm>>
      %dma_start3A_39 = tpu.memref_squeeze %dma_start3A_38 : memref<1x79x128xi32, #tpu.memory_space<hbm>> -> memref<79x128xi32, #tpu.memory_space<hbm>>
      %dma_start3A_40 = arith.constant 0 : i32
      %dma_start3A_41 = arith.constant 0 : i32
      %dma_start3A_42 = tpu.memref_slice %arg2[%add3A, %dma_start3A_40, %dma_start3A_41] : memref<32x79x128xi32, #tpu.memory_space<hbm>> -> memref<1x79x128xi32, #tpu.memory_space<hbm>>
      %dma_start3A_43 = tpu.memref_squeeze %dma_start3A_42 : memref<1x79x128xi32, #tpu.memory_space<hbm>> -> memref<79x128xi32, #tpu.memory_space<hbm>>
      tpu.enqueue_dma source(%dma_start3A_43 : memref<79x128xi32, #tpu.memory_space<hbm>>) target(%arg4 : memref<79x128xi32, #tpu.memory_space<vmem>>) target_semaphore(%run_scoped3A : memref<!tpu.dma_semaphore, #tpu.memory_space<semaphore_mem>>)
      %dma_wait3A = arith.constant 0 : i32
      %dma_wait3A_44 = arith.constant 0 : i32
      %dma_wait3A_45 = tpu.memref_slice %arg2[%add3A, %dma_wait3A, %dma_wait3A_44] : memref<32x79x128xi32, #tpu.memory_space<hbm>> -> memref<1x79x128xi32, #tpu.memory_space<hbm>>
      %dma_wait3A_46 = tpu.memref_squeeze %dma_wait3A_45 : memref<1x79x128xi32, #tpu.memory_space<hbm>> -> memref<79x128xi32, #tpu.memory_space<hbm>>
      %dma_wait3A_47 = arith.constant 0 : i32
      %dma_wait3A_48 = arith.constant 0 : i32
      %dma_wait3A_49 = tpu.memref_slice %arg2[%add3A, %dma_wait3A_47, %dma_wait3A_48] : memref<32x79x128xi32, #tpu.memory_space<hbm>> -> memref<1x79x128xi32, #tpu.memory_space<hbm>>
      %dma_wait3A_50 = tpu.memref_squeeze %dma_wait3A_49 : memref<1x79x128xi32, #tpu.memory_space<hbm>> -> memref<79x128xi32, #tpu.memory_space<hbm>>
      tpu.wait_dma2 semaphore(%run_scoped3A : memref<!tpu.dma_semaphore, #tpu.memory_space<semaphore_mem>>) src(%dma_wait3A_50 : memref<79x128xi32, #tpu.memory_space<hbm>>) dst(%arg4 : memref<79x128xi32, #tpu.memory_space<vmem>>)
      tpu.yield
    }) : () -> ()
    %barrier3A = arith.constant 0 : index
    tpu.barrier barrier_id(%barrier3A)
    %scan3A_25 = arith.constant 0 : i32
    %scan3A_26 = arith.constant 0 : i32
    %scan3A_27 = arith.constant 79 : i32
    %scan3A_28 = arith.addi %scan3A_26, %scan3A_27 : i32
    %scan3A_29 = arith.constant 1 : i32
    %scan3A_30 = scf.for %scan3A_37 = %scan3A_26 to %scan3A_28 step %scan3A_29 iter_args(%scan3A_38 = %scan3A_25) -> (i32)  : i32 {
      "tpu.region"() ({
        %run_scoped3A = tpu.sem_alloc : memref<!tpu.dma_semaphore, #tpu.memory_space<semaphore_mem>>
        %dma_start3A = arith.constant 0 : i32
        %dma_start3A_40 = tpu.memref_slice %arg4[%scan3A_37, %dma_start3A] : memref<79x128xi32, #tpu.memory_space<vmem>> -> memref<1x128xi32, #tpu.memory_space<vmem>>
        %dma_start3A_41 = tpu.memref_squeeze %dma_start3A_40 : memref<1x128xi32, #tpu.memory_space<vmem>> -> memref<128xi32, #tpu.memory_space<vmem>>
        %dma_start3A_42 = arith.constant 0 : i32
        %dma_start3A_43 = arith.constant 0 : i32
        %dma_start3A_44 = tpu.memref_slice %arg7[%dma_start3A_42, %dma_start3A_43] : memref<10112x16xf32, #tpu.memory_space<vmem_shared>> -> memref<10112x16xf32, #tpu.memory_space<vmem_shared>>
        tpu.enqueue_indirect_dma source(%arg5 : memref<128x16xf32, #tpu.memory_space<vmem>>) target(%dma_start3A_44 : memref<10112x16xf32, #tpu.memory_space<vmem_shared>>) offsets(%dma_start3A_41 : memref<128xi32, #tpu.memory_space<vmem>>) semaphore(%run_scoped3A : memref<!tpu.dma_semaphore, #tpu.memory_space<semaphore_mem>>) {add = true}
        %dma_wait3A = arith.constant 0 : i32
        %dma_wait3A_45 = tpu.memref_slice %arg4[%scan3A_37, %dma_wait3A] : memref<79x128xi32, #tpu.memory_space<vmem>> -> memref<1x128xi32, #tpu.memory_space<vmem>>
        %dma_wait3A_46 = tpu.memref_squeeze %dma_wait3A_45 : memref<1x128xi32, #tpu.memory_space<vmem>> -> memref<128xi32, #tpu.memory_space<vmem>>
        %dma_wait3A_47 = arith.constant 0 : i32
        %dma_wait3A_48 = arith.constant 0 : i32
        %dma_wait3A_49 = tpu.memref_slice %arg7[%dma_wait3A_47, %dma_wait3A_48] : memref<10112x16xf32, #tpu.memory_space<vmem_shared>> -> memref<10112x16xf32, #tpu.memory_space<vmem_shared>>
        tpu.wait_indirect_dma semaphore(%run_scoped3A : memref<!tpu.dma_semaphore, #tpu.memory_space<semaphore_mem>>) src(%arg5 : memref<128x16xf32, #tpu.memory_space<vmem>>) dst(%dma_wait3A_49 : memref<10112x16xf32, #tpu.memory_space<vmem_shared>>)
        tpu.yield
      }) : () -> ()
      %scan3A_39 = arith.constant 0 : i32
      scf.yield %scan3A_39 : i32
    }
    %scan3A_31 = arith.constant 79 : i32
    %barrier3A_32 = arith.constant 0 : index
    tpu.barrier barrier_id(%barrier3A_32)
    %mul3A_33 = arith.constant 632 : i32
    %mul3A_34 = arith.muli %arg1, %mul3A_33 : i32
    %mul3A_35 = arith.constant 632 : i32
    %mul3A_36 = arith.muli %arg1, %mul3A_35 : i32
    "tpu.region"() ({
      %run_scoped3A = tpu.sem_alloc : memref<!tpu.dma_semaphore, #tpu.memory_space<semaphore_mem>>
      %dma_start3A = arith.constant 0 : i32
      %dma_start3A_37 = tpu.memref_slice %arg3[%arg0, %mul3A_36, %dma_start3A] : memref<2x10112x16xf32, #tpu.memory_space<hbm>> -> memref<1x632x16xf32, #tpu.memory_space<hbm>>
      %dma_start3A_38 = tpu.memref_squeeze %dma_start3A_37 : memref<1x632x16xf32, #tpu.memory_space<hbm>> -> memref<632x16xf32, #tpu.memory_space<hbm>>
      %dma_start3A_39 = arith.constant 0 : i32
      %dma_start3A_40 = tpu.memref_slice %arg7[%mul3A_34, %dma_start3A_39] : memref<10112x16xf32, #tpu.memory_space<vmem_shared>> -> memref<632x16xf32, #tpu.memory_space<vmem_shared>>
      tpu.enqueue_dma source(%dma_start3A_40 : memref<632x16xf32, #tpu.memory_space<vmem_shared>>) target(%dma_start3A_38 : memref<632x16xf32, #tpu.memory_space<hbm>>) target_semaphore(%run_scoped3A : memref<!tpu.dma_semaphore, #tpu.memory_space<semaphore_mem>>)
      %dma_wait3A = arith.constant 0 : i32
      %dma_wait3A_41 = tpu.memref_slice %arg3[%arg0, %mul3A_36, %dma_wait3A] : memref<2x10112x16xf32, #tpu.memory_space<hbm>> -> memref<1x632x16xf32, #tpu.memory_space<hbm>>
      %dma_wait3A_42 = tpu.memref_squeeze %dma_wait3A_41 : memref<1x632x16xf32, #tpu.memory_space<hbm>> -> memref<632x16xf32, #tpu.memory_space<hbm>>
      %dma_wait3A_43 = arith.constant 0 : i32
      %dma_wait3A_44 = tpu.memref_slice %arg7[%mul3A_34, %dma_wait3A_43] : memref<10112x16xf32, #tpu.memory_space<vmem_shared>> -> memref<632x16xf32, #tpu.memory_space<vmem_shared>>
      tpu.wait_dma2 semaphore(%run_scoped3A : memref<!tpu.dma_semaphore, #tpu.memory_space<semaphore_mem>>) src(%dma_wait3A_44 : memref<632x16xf32, #tpu.memory_space<vmem_shared>>) dst(%dma_wait3A_42 : memref<632x16xf32, #tpu.memory_space<hbm>>)
      tpu.yield
    }) : () -> ()
    return
  }
}

#map = affine_map<(d0, d1) -> (0, 0)>
#map1 = affine_map<(d0, d1) -> (0, 0, 0, 0)>
#map2 = affine_map<(d0, d1) -> (0, 0, 0)>
module attributes {stable_mosaic.version = 14 : i64} {
  func.func @_sc_agg_body(%arg0: i32, %arg1: i32, %arg2: memref<10000x128xf32, #tpu.memory_space<hbm>>, %arg3: memref<32x79x2x128xi32, #tpu.memory_space<hbm>>, %arg4: memref<2x10112x128xf32, #tpu.memory_space<hbm>>, %arg5: memref<2x128xi32, #tpu.memory_space<vmem>>, %arg6: memref<2x128xi32, #tpu.memory_space<vmem>>, %arg7: memref<2x128xi32, #tpu.memory_space<vmem>>, %arg8: memref<128x128xf32, #tpu.memory_space<vmem>>, %arg9: memref<128x128xf32, #tpu.memory_space<vmem>>, %arg10: memref<128x128xf32, #tpu.memory_space<vmem>>, %arg11: memref<!tpu.dma_semaphore, #tpu.memory_space<semaphore_mem>>, %arg12: memref<!tpu.dma_semaphore, #tpu.memory_space<semaphore_mem>>, %arg13: memref<!tpu.dma_semaphore, #tpu.memory_space<semaphore_mem>>, %arg14: memref<!tpu.dma_semaphore, #tpu.memory_space<semaphore_mem>>, %arg15: memref<!tpu.dma_semaphore, #tpu.memory_space<semaphore_mem>>, %arg16: memref<!tpu.dma_semaphore, #tpu.memory_space<semaphore_mem>>, %arg17: memref<10112x128xf32, #tpu.memory_space<vmem_shared>>) attributes {dimension_semantics = [#tpu.dimension_semantics<core_parallel>, #tpu.dimension_semantics<subcore_parallel>], iteration_bounds = array<i64: 2, 16>, scalar_prefetch = 0 : i64, scratch_operands = 13 : i64, tpu.core_type = #tpu.core_type<sc_vector_subcore>, window_params = [{transform_indices = #map}, {transform_indices = #map1}, {transform_indices = #map2}]} {
    %mul3A = arith.constant 16 : i32
    %mul3A_0 = arith.muli %arg0, %mul3A : i32
    %add3A = arith.addi %mul3A_0, %arg1 : i32
    %scan3A = arith.constant 0 : i32
    %scan3A_1 = arith.constant 0 : i32
    %scan3A_2 = arith.constant 128 : i32
    %scan3A_3 = arith.addi %scan3A_1, %scan3A_2 : i32
    %scan3A_4 = arith.constant 1 : i32
    %scan3A_5 = scf.for %scan3A_94 = %scan3A_1 to %scan3A_3 step %scan3A_4 iter_args(%scan3A_95 = %scan3A) -> (i32)  : i32 {
      %scan3A_96 = arith.constant 0 : i32
      %scan3A_97 = arith.constant 0 : i32
      %scan3A_98 = arith.constant 8 : i32
      %scan3A_99 = arith.addi %scan3A_97, %scan3A_98 : i32
      %scan3A_100 = arith.constant 1 : i32
      %scan3A_101 = scf.for %scan3A_103 = %scan3A_97 to %scan3A_99 step %scan3A_100 iter_args(%scan3A_104 = %scan3A_96) -> (i32)  : i32 {
        %broadcast_in_dim3A = arith.constant 0.000000e+00 : f32
        %broadcast_in_dim3A_105 = vector.broadcast %broadcast_in_dim3A : f32 to vector<16xf32>
        %mul3A_106 = arith.constant 16 : i32
        %mul3A_107 = arith.muli %scan3A_103, %mul3A_106 : i32
        %swap3A = arith.index_cast %scan3A_94 : i32 to index
        %swap3A_108 = arith.index_cast %mul3A_107 : i32 to index
        %swap3A_109 = tpu.vector_load %arg8[%swap3A, %swap3A_108] {strides = array<i32>} : memref<128x128xf32, #tpu.memory_space<vmem>>, vector<1x16xf32>,
        %swap3A_110 = vector.shape_cast %swap3A_109 : vector<1x16xf32> to vector<16xf32>
        %swap3A_111 = vector.shape_cast %broadcast_in_dim3A_105 : vector<16xf32> to vector<1x16xf32>
        tpu.vector_store %arg8[%swap3A, %swap3A_108], %swap3A_111 {strides = array<i32>} : memref<128x128xf32, #tpu.memory_space<vmem>>, vector<1x16xf32>,
        %scan3A_112 = arith.constant 0 : i32
        scf.yield %scan3A_112 : i32
      }
      %scan3A_102 = arith.constant 8 : i32
      scf.yield %scan3A_101 : i32
    }
    %scan3A_6 = arith.constant 128 : i32
    %scan3A_7 = arith.constant 0 : i32
    %scan3A_8 = arith.constant 0 : i32
    %scan3A_9 = arith.constant 4 : i32
    %scan3A_10 = arith.addi %scan3A_8, %scan3A_9 : i32
    %scan3A_11 = arith.constant 1 : i32
    %scan3A_12 = scf.for %scan3A_94 = %scan3A_8 to %scan3A_10 step %scan3A_11 iter_args(%scan3A_95 = %scan3A_7) -> (i32)  : i32 {
      %mul3A_96 = arith.constant 632 : i32
      %mul3A_97 = arith.muli %arg1, %mul3A_96 : i32
      %mul3A_98 = arith.constant 128 : i32
      %mul3A_99 = arith.muli %scan3A_94, %mul3A_98 : i32
      %add3A_100 = arith.addi %mul3A_97, %mul3A_99 : i32
      "tpu.region"() ({
        %run_scoped3A_102 = tpu.sem_alloc : memref<!tpu.dma_semaphore, #tpu.memory_space<semaphore_mem>>
        %dma_start3A_103 = arith.constant 0 : i32
        %dma_start3A_104 = tpu.memref_slice %arg17[%add3A_100, %dma_start3A_103] : memref<10112x128xf32, #tpu.memory_space<vmem_shared>> -> memref<128x128xf32, #tpu.memory_space<vmem_shared>>
        %dma_start3A_105 = arith.constant 0 : i32
        %dma_start3A_106 = tpu.memref_slice %arg17[%add3A_100, %dma_start3A_105] : memref<10112x128xf32, #tpu.memory_space<vmem_shared>> -> memref<128x128xf32, #tpu.memory_space<vmem_shared>>
        tpu.enqueue_dma source(%arg8 : memref<128x128xf32, #tpu.memory_space<vmem>>) target(%dma_start3A_106 : memref<128x128xf32, #tpu.memory_space<vmem_shared>>) target_semaphore(%run_scoped3A_102 : memref<!tpu.dma_semaphore, #tpu.memory_space<semaphore_mem>>)
        %dma_wait3A_107 = arith.constant 0 : i32
        %dma_wait3A_108 = tpu.memref_slice %arg17[%add3A_100, %dma_wait3A_107] : memref<10112x128xf32, #tpu.memory_space<vmem_shared>> -> memref<128x128xf32, #tpu.memory_space<vmem_shared>>
        %dma_wait3A_109 = arith.constant 0 : i32
        %dma_wait3A_110 = tpu.memref_slice %arg17[%add3A_100, %dma_wait3A_109] : memref<10112x128xf32, #tpu.memory_space<vmem_shared>> -> memref<128x128xf32, #tpu.memory_space<vmem_shared>>
        tpu.wait_dma2 semaphore(%run_scoped3A_102 : memref<!tpu.dma_semaphore, #tpu.memory_space<semaphore_mem>>) src(%arg8 : memref<128x128xf32, #tpu.memory_space<vmem>>) dst(%dma_wait3A_110 : memref<128x128xf32, #tpu.memory_space<vmem_shared>>)
        tpu.yield
      }) : () -> ()
      %scan3A_101 = arith.constant 0 : i32
      scf.yield %scan3A_101 : i32
    }
    %scan3A_13 = arith.constant 4 : i32
    %mul3A_14 = arith.constant 632 : i32
    %mul3A_15 = arith.muli %arg1, %mul3A_14 : i32
    %add3A_16 = arith.constant 512 : i32
    %add3A_17 = arith.addi %mul3A_15, %add3A_16 : i32
    "tpu.region"() ({
      %run_scoped3A_94 = tpu.sem_alloc : memref<!tpu.dma_semaphore, #tpu.memory_space<semaphore_mem>>
      %dma_start3A_95 = arith.constant 0 : i32
      %dma_start3A_96 = arith.constant 0 : i32
      %dma_start3A_97 = tpu.memref_slice %arg8[%dma_start3A_95, %dma_start3A_96] : memref<128x128xf32, #tpu.memory_space<vmem>> -> memref<120x128xf32, #tpu.memory_space<vmem>>
      %dma_start3A_98 = arith.constant 0 : i32
      %dma_start3A_99 = tpu.memref_slice %arg17[%add3A_17, %dma_start3A_98] : memref<10112x128xf32, #tpu.memory_space<vmem_shared>> -> memref<120x128xf32, #tpu.memory_space<vmem_shared>>
      %dma_start3A_100 = arith.constant 0 : i32
      %dma_start3A_101 = tpu.memref_slice %arg17[%add3A_17, %dma_start3A_100] : memref<10112x128xf32, #tpu.memory_space<vmem_shared>> -> memref<120x128xf32, #tpu.memory_space<vmem_shared>>
      %dma_start3A_102 = arith.constant 0 : i32
      %dma_start3A_103 = arith.constant 0 : i32
      %dma_start3A_104 = tpu.memref_slice %arg8[%dma_start3A_102, %dma_start3A_103] : memref<128x128xf32, #tpu.memory_space<vmem>> -> memref<120x128xf32, #tpu.memory_space<vmem>>
      tpu.enqueue_dma source(%dma_start3A_104 : memref<120x128xf32, #tpu.memory_space<vmem>>) target(%dma_start3A_101 : memref<120x128xf32, #tpu.memory_space<vmem_shared>>) target_semaphore(%run_scoped3A_94 : memref<!tpu.dma_semaphore, #tpu.memory_space<semaphore_mem>>)
      %dma_wait3A_105 = arith.constant 0 : i32
      %dma_wait3A_106 = arith.constant 0 : i32
      %dma_wait3A_107 = tpu.memref_slice %arg8[%dma_wait3A_105, %dma_wait3A_106] : memref<128x128xf32, #tpu.memory_space<vmem>> -> memref<120x128xf32, #tpu.memory_space<vmem>>
      %dma_wait3A_108 = arith.constant 0 : i32
      %dma_wait3A_109 = tpu.memref_slice %arg17[%add3A_17, %dma_wait3A_108] : memref<10112x128xf32, #tpu.memory_space<vmem_shared>> -> memref<120x128xf32, #tpu.memory_space<vmem_shared>>
      %dma_wait3A_110 = arith.constant 0 : i32
      %dma_wait3A_111 = tpu.memref_slice %arg17[%add3A_17, %dma_wait3A_110] : memref<10112x128xf32, #tpu.memory_space<vmem_shared>> -> memref<120x128xf32, #tpu.memory_space<vmem_shared>>
      %dma_wait3A_112 = arith.constant 0 : i32
      %dma_wait3A_113 = arith.constant 0 : i32
      %dma_wait3A_114 = tpu.memref_slice %arg8[%dma_wait3A_112, %dma_wait3A_113] : memref<128x128xf32, #tpu.memory_space<vmem>> -> memref<120x128xf32, #tpu.memory_space<vmem>>
      tpu.wait_dma2 semaphore(%run_scoped3A_94 : memref<!tpu.dma_semaphore, #tpu.memory_space<semaphore_mem>>) src(%dma_wait3A_114 : memref<120x128xf32, #tpu.memory_space<vmem>>) dst(%dma_wait3A_111 : memref<120x128xf32, #tpu.memory_space<vmem_shared>>)
      tpu.yield
    }) : () -> ()
    %barrier3A = arith.constant 0 : index
    tpu.barrier barrier_id(%barrier3A)
    %dma_start3A = arith.constant 0 : i32
    %dma_start3A_18 = arith.constant 0 : i32
    %dma_start3A_19 = arith.constant 0 : i32
    %dma_start3A_20 = tpu.memref_slice %arg3[%add3A, %dma_start3A, %dma_start3A_18, %dma_start3A_19] : memref<32x79x2x128xi32, #tpu.memory_space<hbm>> -> memref<1x1x2x128xi32, #tpu.memory_space<hbm>>
    %dma_start3A_21 = tpu.memref_squeeze %dma_start3A_20 : memref<1x1x2x128xi32, #tpu.memory_space<hbm>> -> memref<2x128xi32, #tpu.memory_space<hbm>>
    %dma_start3A_22 = arith.constant 0 : i32
    %dma_start3A_23 = arith.constant 0 : i32
    %dma_start3A_24 = tpu.memref_slice %arg3[%add3A, %dma_start3A, %dma_start3A_22, %dma_start3A_23] : memref<32x79x2x128xi32, #tpu.memory_space<hbm>> -> memref<1x1x2x128xi32, #tpu.memory_space<hbm>>
    %dma_start3A_25 = tpu.memref_squeeze %dma_start3A_24 : memref<1x1x2x128xi32, #tpu.memory_space<hbm>> -> memref<2x128xi32, #tpu.memory_space<hbm>>
    tpu.enqueue_dma source(%dma_start3A_25 : memref<2x128xi32, #tpu.memory_space<hbm>>) target(%arg5 : memref<2x128xi32, #tpu.memory_space<vmem>>) target_semaphore(%arg14 : memref<!tpu.dma_semaphore, #tpu.memory_space<semaphore_mem>>)
    %dma_wait3A = arith.constant 0 : i32
    %dma_wait3A_26 = arith.constant 0 : i32
    %dma_wait3A_27 = arith.constant 0 : i32
    %dma_wait3A_28 = tpu.memref_slice %arg3[%add3A, %dma_wait3A, %dma_wait3A_26, %dma_wait3A_27] : memref<32x79x2x128xi32, #tpu.memory_space<hbm>> -> memref<1x1x2x128xi32, #tpu.memory_space<hbm>>
    %dma_wait3A_29 = tpu.memref_squeeze %dma_wait3A_28 : memref<1x1x2x128xi32, #tpu.memory_space<hbm>> -> memref<2x128xi32, #tpu.memory_space<hbm>>
    %dma_wait3A_30 = arith.constant 0 : i32
    %dma_wait3A_31 = arith.constant 0 : i32
    %dma_wait3A_32 = tpu.memref_slice %arg3[%add3A, %dma_wait3A, %dma_wait3A_30, %dma_wait3A_31] : memref<32x79x2x128xi32, #tpu.memory_space<hbm>> -> memref<1x1x2x128xi32, #tpu.memory_space<hbm>>
    %dma_wait3A_33 = tpu.memref_squeeze %dma_wait3A_32 : memref<1x1x2x128xi32, #tpu.memory_space<hbm>> -> memref<2x128xi32, #tpu.memory_space<hbm>>
    tpu.wait_dma2 semaphore(%arg14 : memref<!tpu.dma_semaphore, #tpu.memory_space<semaphore_mem>>) src(%dma_wait3A_33 : memref<2x128xi32, #tpu.memory_space<hbm>>) dst(%arg5 : memref<2x128xi32, #tpu.memory_space<vmem>>)
    %dma_start3A_34 = arith.constant 0 : i32
    %dma_start3A_35 = arith.constant 0 : i32
    %dma_start3A_36 = tpu.memref_slice %arg5[%dma_start3A_34, %dma_start3A_35] : memref<2x128xi32, #tpu.memory_space<vmem>> -> memref<1x128xi32, #tpu.memory_space<vmem>>
    %dma_start3A_37 = tpu.memref_squeeze %dma_start3A_36 : memref<1x128xi32, #tpu.memory_space<vmem>> -> memref<128xi32, #tpu.memory_space<vmem>>
    %dma_start3A_38 = arith.constant 0 : i32
    %dma_start3A_39 = arith.constant 0 : i32
    %dma_start3A_40 = tpu.memref_slice %arg2[%dma_start3A_38, %dma_start3A_39] : memref<10000x128xf32, #tpu.memory_space<hbm>> -> memref<10000x128xf32, #tpu.memory_space<hbm>>
    tpu.enqueue_indirect_dma source(%dma_start3A_40 : memref<10000x128xf32, #tpu.memory_space<hbm>>) target(%arg8 : memref<128x128xf32, #tpu.memory_space<vmem>>) offsets(%dma_start3A_37 : memref<128xi32, #tpu.memory_space<vmem>>) semaphore(%arg11 : memref<!tpu.dma_semaphore, #tpu.memory_space<semaphore_mem>>)
    %dma_start3A_41 = arith.constant 1 : i32
    %dma_start3A_42 = arith.constant 0 : i32
    %dma_start3A_43 = arith.constant 0 : i32
    %dma_start3A_44 = tpu.memref_slice %arg3[%add3A, %dma_start3A_41, %dma_start3A_42, %dma_start3A_43] : memref<32x79x2x128xi32, #tpu.memory_space<hbm>> -> memref<1x1x2x128xi32, #tpu.memory_space<hbm>>
    %dma_start3A_45 = tpu.memref_squeeze %dma_start3A_44 : memref<1x1x2x128xi32, #tpu.memory_space<hbm>> -> memref<2x128xi32, #tpu.memory_space<hbm>>
    %dma_start3A_46 = arith.constant 0 : i32
    %dma_start3A_47 = arith.constant 0 : i32
    %dma_start3A_48 = tpu.memref_slice %arg3[%add3A, %dma_start3A_41, %dma_start3A_46, %dma_start3A_47] : memref<32x79x2x128xi32, #tpu.memory_space<hbm>> -> memref<1x1x2x128xi32, #tpu.memory_space<hbm>>
    %dma_start3A_49 = tpu.memref_squeeze %dma_start3A_48 : memref<1x1x2x128xi32, #tpu.memory_space<hbm>> -> memref<2x128xi32, #tpu.memory_space<hbm>>
    tpu.enqueue_dma source(%dma_start3A_49 : memref<2x128xi32, #tpu.memory_space<hbm>>) target(%arg6 : memref<2x128xi32, #tpu.memory_space<vmem>>) target_semaphore(%arg15 : memref<!tpu.dma_semaphore, #tpu.memory_space<semaphore_mem>>)
    %dma_wait3A_50 = arith.constant 1 : i32
    %dma_wait3A_51 = arith.constant 0 : i32
    %dma_wait3A_52 = arith.constant 0 : i32
    %dma_wait3A_53 = tpu.memref_slice %arg3[%add3A, %dma_wait3A_50, %dma_wait3A_51, %dma_wait3A_52] : memref<32x79x2x128xi32, #tpu.memory_space<hbm>> -> memref<1x1x2x128xi32, #tpu.memory_space<hbm>>
    %dma_wait3A_54 = tpu.memref_squeeze %dma_wait3A_53 : memref<1x1x2x128xi32, #tpu.memory_space<hbm>> -> memref<2x128xi32, #tpu.memory_space<hbm>>
    %dma_wait3A_55 = arith.constant 0 : i32
    %dma_wait3A_56 = arith.constant 0 : i32
    %dma_wait3A_57 = tpu.memref_slice %arg3[%add3A, %dma_wait3A_50, %dma_wait3A_55, %dma_wait3A_56] : memref<32x79x2x128xi32, #tpu.memory_space<hbm>> -> memref<1x1x2x128xi32, #tpu.memory_space<hbm>>
    %dma_wait3A_58 = tpu.memref_squeeze %dma_wait3A_57 : memref<1x1x2x128xi32, #tpu.memory_space<hbm>> -> memref<2x128xi32, #tpu.memory_space<hbm>>
    tpu.wait_dma2 semaphore(%arg15 : memref<!tpu.dma_semaphore, #tpu.memory_space<semaphore_mem>>) src(%dma_wait3A_58 : memref<2x128xi32, #tpu.memory_space<hbm>>) dst(%arg6 : memref<2x128xi32, #tpu.memory_space<vmem>>)
    %dma_start3A_59 = arith.constant 0 : i32
    %dma_start3A_60 = arith.constant 0 : i32
    %dma_start3A_61 = tpu.memref_slice %arg6[%dma_start3A_59, %dma_start3A_60] : memref<2x128xi32, #tpu.memory_space<vmem>> -> memref<1x128xi32, #tpu.memory_space<vmem>>
    %dma_start3A_62 = tpu.memref_squeeze %dma_start3A_61 : memref<1x128xi32, #tpu.memory_space<vmem>> -> memref<128xi32, #tpu.memory_space<vmem>>
    %dma_start3A_63 = arith.constant 0 : i32
    %dma_start3A_64 = arith.constant 0 : i32
    %dma_start3A_65 = tpu.memref_slice %arg2[%dma_start3A_63, %dma_start3A_64] : memref<10000x128xf32, #tpu.memory_space<hbm>> -> memref<10000x128xf32, #tpu.memory_space<hbm>>
    tpu.enqueue_indirect_dma source(%dma_start3A_65 : memref<10000x128xf32, #tpu.memory_space<hbm>>) target(%arg9 : memref<128x128xf32, #tpu.memory_space<vmem>>) offsets(%dma_start3A_62 : memref<128xi32, #tpu.memory_space<vmem>>) semaphore(%arg12 : memref<!tpu.dma_semaphore, #tpu.memory_space<semaphore_mem>>)
    %dma_start3A_66 = arith.constant 2 : i32
    %dma_start3A_67 = arith.constant 0 : i32
    %dma_start3A_68 = arith.constant 0 : i32
    %dma_start3A_69 = tpu.memref_slice %arg3[%add3A, %dma_start3A_66, %dma_start3A_67, %dma_start3A_68] : memref<32x79x2x128xi32, #tpu.memory_space<hbm>> -> memref<1x1x2x128xi32, #tpu.memory_space<hbm>>
    %dma_start3A_70 = tpu.memref_squeeze %dma_start3A_69 : memref<1x1x2x128xi32, #tpu.memory_space<hbm>> -> memref<2x128xi32, #tpu.memory_space<hbm>>
    %dma_start3A_71 = arith.constant 0 : i32
    %dma_start3A_72 = arith.constant 0 : i32
    %dma_start3A_73 = tpu.memref_slice %arg3[%add3A, %dma_start3A_66, %dma_start3A_71, %dma_start3A_72] : memref<32x79x2x128xi32, #tpu.memory_space<hbm>> -> memref<1x1x2x128xi32, #tpu.memory_space<hbm>>
    %dma_start3A_74 = tpu.memref_squeeze %dma_start3A_73 : memref<1x1x2x128xi32, #tpu.memory_space<hbm>> -> memref<2x128xi32, #tpu.memory_space<hbm>>
    tpu.enqueue_dma source(%dma_start3A_74 : memref<2x128xi32, #tpu.memory_space<hbm>>) target(%arg7 : memref<2x128xi32, #tpu.memory_space<vmem>>) target_semaphore(%arg16 : memref<!tpu.dma_semaphore, #tpu.memory_space<semaphore_mem>>)
    %scan3A_75 = arith.constant 0 : i32
    %scan3A_76 = arith.constant 0 : i32
    %scan3A_77 = arith.constant 26 : i32
    %scan3A_78 = arith.addi %scan3A_76, %scan3A_77 : i32
    %scan3A_79 = arith.constant 1 : i32
    %scan3A_80 = scf.for %scan3A_94 = %scan3A_76 to %scan3A_78 step %scan3A_79 iter_args(%scan3A_95 = %scan3A_75) -> (i32)  : i32 {
      %mul3A_96 = arith.constant 3 : i32
      %mul3A_97 = arith.muli %mul3A_96, %scan3A_94 : i32
      %add3A_98 = arith.constant 2 : i32
      %add3A_99 = arith.addi %mul3A_97, %add3A_98 : i32
      %lt3A = arith.constant 79 : i32
      %lt3A_100 = arith.cmpi slt, %add3A_99, %lt3A : i32
      %convert_element_type3A = arith.extui %lt3A_100 : i1 to i32
      %cond3A = arith.constant 0 : i32
      %cond3A_101 = arith.cmpi ne, %convert_element_type3A, %cond3A : i32
      scf.if %cond3A_101 {
        %dma_wait3A_166 = arith.constant 0 : i32
        %dma_wait3A_167 = arith.constant 0 : i32
        %dma_wait3A_168 = arith.constant 0 : i32
        %dma_wait3A_169 = tpu.memref_slice %arg3[%add3A, %dma_wait3A_166, %dma_wait3A_167, %dma_wait3A_168] : memref<32x79x2x128xi32, #tpu.memory_space<hbm>> -> memref<1x1x2x128xi32, #tpu.memory_space<hbm>>
        %dma_wait3A_170 = tpu.memref_squeeze %dma_wait3A_169 : memref<1x1x2x128xi32, #tpu.memory_space<hbm>> -> memref<2x128xi32, #tpu.memory_space<hbm>>
        %dma_wait3A_171 = arith.constant 0 : i32
        %dma_wait3A_172 = arith.constant 0 : i32
        %dma_wait3A_173 = tpu.memref_slice %arg3[%add3A, %dma_wait3A_166, %dma_wait3A_171, %dma_wait3A_172] : memref<32x79x2x128xi32, #tpu.memory_space<hbm>> -> memref<1x1x2x128xi32, #tpu.memory_space<hbm>>
        %dma_wait3A_174 = tpu.memref_squeeze %dma_wait3A_173 : memref<1x1x2x128xi32, #tpu.memory_space<hbm>> -> memref<2x128xi32, #tpu.memory_space<hbm>>
        tpu.wait_dma2 semaphore(%arg16 : memref<!tpu.dma_semaphore, #tpu.memory_space<semaphore_mem>>) src(%dma_wait3A_174 : memref<2x128xi32, #tpu.memory_space<hbm>>) dst(%arg7 : memref<2x128xi32, #tpu.memory_space<vmem>>)
        %dma_start3A_175 = arith.constant 0 : i32
        %dma_start3A_176 = arith.constant 0 : i32
        %dma_start3A_177 = tpu.memref_slice %arg7[%dma_start3A_175, %dma_start3A_176] : memref<2x128xi32, #tpu.memory_space<vmem>> -> memref<1x128xi32, #tpu.memory_space<vmem>>
        %dma_start3A_178 = tpu.memref_squeeze %dma_start3A_177 : memref<1x128xi32, #tpu.memory_space<vmem>> -> memref<128xi32, #tpu.memory_space<vmem>>
        %dma_start3A_179 = arith.constant 0 : i32
        %dma_start3A_180 = arith.constant 0 : i32
        %dma_start3A_181 = tpu.memref_slice %arg2[%dma_start3A_179, %dma_start3A_180] : memref<10000x128xf32, #tpu.memory_space<hbm>> -> memref<10000x128xf32, #tpu.memory_space<hbm>>
        tpu.enqueue_indirect_dma source(%dma_start3A_181 : memref<10000x128xf32, #tpu.memory_space<hbm>>) target(%arg10 : memref<128x128xf32, #tpu.memory_space<vmem>>) offsets(%dma_start3A_178 : memref<128xi32, #tpu.memory_space<vmem>>) semaphore(%arg13 : memref<!tpu.dma_semaphore, #tpu.memory_space<semaphore_mem>>)
      } else {
      }
      %dma_wait3A_102 = arith.constant 0 : i32
      %dma_wait3A_103 = arith.constant 0 : i32
      %dma_wait3A_104 = tpu.memref_slice %arg5[%dma_wait3A_102, %dma_wait3A_103] : memref<2x128xi32, #tpu.memory_space<vmem>> -> memref<1x128xi32, #tpu.memory_space<vmem>>
      %dma_wait3A_105 = tpu.memref_squeeze %dma_wait3A_104 : memref<1x128xi32, #tpu.memory_space<vmem>> -> memref<128xi32, #tpu.memory_space<vmem>>
      %dma_wait3A_106 = arith.constant 0 : i32
      %dma_wait3A_107 = arith.constant 0 : i32
      %dma_wait3A_108 = tpu.memref_slice %arg2[%dma_wait3A_106, %dma_wait3A_107] : memref<10000x128xf32, #tpu.memory_space<hbm>> -> memref<10000x128xf32, #tpu.memory_space<hbm>>
      tpu.wait_indirect_dma semaphore(%arg11 : memref<!tpu.dma_semaphore, #tpu.memory_space<semaphore_mem>>) src(%dma_wait3A_108 : memref<10000x128xf32, #tpu.memory_space<hbm>>) dst(%arg8 : memref<128x128xf32, #tpu.memory_space<vmem>>)
      %run_scoped3A_109 = arith.constant 1 : i32
      "tpu.region"() ({
        %run_scoped3A_166 = tpu.sem_alloc : memref<!tpu.dma_semaphore, #tpu.memory_space<semaphore_mem>>
        %dma_start3A_167 = arith.constant 0 : i32
        %dma_start3A_168 = tpu.memref_slice %arg5[%run_scoped3A_109, %dma_start3A_167] : memref<2x128xi32, #tpu.memory_space<vmem>> -> memref<1x128xi32, #tpu.memory_space<vmem>>
        %dma_start3A_169 = tpu.memref_squeeze %dma_start3A_168 : memref<1x128xi32, #tpu.memory_space<vmem>> -> memref<128xi32, #tpu.memory_space<vmem>>
        %dma_start3A_170 = arith.constant 0 : i32
        %dma_start3A_171 = arith.constant 0 : i32
        %dma_start3A_172 = tpu.memref_slice %arg17[%dma_start3A_170, %dma_start3A_171] : memref<10112x128xf32, #tpu.memory_space<vmem_shared>> -> memref<10112x128xf32, #tpu.memory_space<vmem_shared>>
        tpu.enqueue_indirect_dma source(%arg8 : memref<128x128xf32, #tpu.memory_space<vmem>>) target(%dma_start3A_172 : memref<10112x128xf32, #tpu.memory_space<vmem_shared>>) offsets(%dma_start3A_169 : memref<128xi32, #tpu.memory_space<vmem>>) semaphore(%run_scoped3A_166 : memref<!tpu.dma_semaphore, #tpu.memory_space<semaphore_mem>>) {add = true}
        %dma_wait3A_173 = arith.constant 0 : i32
        %dma_wait3A_174 = tpu.memref_slice %arg5[%run_scoped3A_109, %dma_wait3A_173] : memref<2x128xi32, #tpu.memory_space<vmem>> -> memref<1x128xi32, #tpu.memory_space<vmem>>
        %dma_wait3A_175 = tpu.memref_squeeze %dma_wait3A_174 : memref<1x128xi32, #tpu.memory_space<vmem>> -> memref<128xi32, #tpu.memory_space<vmem>>
        %dma_wait3A_176 = arith.constant 0 : i32
        %dma_wait3A_177 = arith.constant 0 : i32
        %dma_wait3A_178 = tpu.memref_slice %arg17[%dma_wait3A_176, %dma_wait3A_177] : memref<10112x128xf32, #tpu.memory_space<vmem_shared>> -> memref<10112x128xf32, #tpu.memory_space<vmem_shared>>
        tpu.wait_indirect_dma semaphore(%run_scoped3A_166 : memref<!tpu.dma_semaphore, #tpu.memory_space<semaphore_mem>>) src(%arg8 : memref<128x128xf32, #tpu.memory_space<vmem>>) dst(%dma_wait3A_178 : memref<10112x128xf32, #tpu.memory_space<vmem_shared>>)
        tpu.yield
      }) : () -> ()
      %add3A_110 = arith.constant 3 : i32
      %add3A_111 = arith.addi %mul3A_97, %add3A_110 : i32
      %lt3A_112 = arith.constant 79 : i32
      %lt3A_113 = arith.cmpi slt, %add3A_111, %lt3A_112 : i32
      %convert_element_type3A_114 = arith.extui %lt3A_113 : i1 to i32
      %cond3A_115 = arith.constant 0 : i32
      %cond3A_116 = arith.cmpi ne, %convert_element_type3A_114, %cond3A_115 : i32
      scf.if %cond3A_116 {
        %add3A_166 = arith.constant 3 : i32
        %add3A_167 = arith.addi %mul3A_97, %add3A_166 : i32
        %dma_start3A_168 = arith.constant 0 : i32
        %dma_start3A_169 = arith.constant 0 : i32
        %dma_start3A_170 = tpu.memref_slice %arg3[%add3A, %add3A_167, %dma_start3A_168, %dma_start3A_169] : memref<32x79x2x128xi32, #tpu.memory_space<hbm>> -> memref<1x1x2x128xi32, #tpu.memory_space<hbm>>
        %dma_start3A_171 = tpu.memref_squeeze %dma_start3A_170 : memref<1x1x2x128xi32, #tpu.memory_space<hbm>> -> memref<2x128xi32, #tpu.memory_space<hbm>>
        %dma_start3A_172 = arith.constant 0 : i32
        %dma_start3A_173 = arith.constant 0 : i32
        %dma_start3A_174 = tpu.memref_slice %arg3[%add3A, %add3A_167, %dma_start3A_172, %dma_start3A_173] : memref<32x79x2x128xi32, #tpu.memory_space<hbm>> -> memref<1x1x2x128xi32, #tpu.memory_space<hbm>>
        %dma_start3A_175 = tpu.memref_squeeze %dma_start3A_174 : memref<1x1x2x128xi32, #tpu.memory_space<hbm>> -> memref<2x128xi32, #tpu.memory_space<hbm>>
        tpu.enqueue_dma source(%dma_start3A_175 : memref<2x128xi32, #tpu.memory_space<hbm>>) target(%arg5 : memref<2x128xi32, #tpu.memory_space<vmem>>) target_semaphore(%arg14 : memref<!tpu.dma_semaphore, #tpu.memory_space<semaphore_mem>>)
      } else {
      }
      %add3A_117 = arith.constant 1 : i32
      %add3A_118 = arith.addi %mul3A_97, %add3A_117 : i32
      %add3A_119 = arith.constant 2 : i32
      %add3A_120 = arith.addi %add3A_118, %add3A_119 : i32
      %lt3A_121 = arith.constant 79 : i32
      %lt3A_122 = arith.cmpi slt, %add3A_120, %lt3A_121 : i32
      %convert_element_type3A_123 = arith.extui %lt3A_122 : i1 to i32
      %cond3A_124 = arith.constant 0 : i32
      %cond3A_125 = arith.cmpi ne, %convert_element_type3A_123, %cond3A_124 : i32
      scf.if %cond3A_125 {
        %dma_wait3A_166 = arith.constant 0 : i32
        %dma_wait3A_167 = arith.constant 0 : i32
        %dma_wait3A_168 = arith.constant 0 : i32
        %dma_wait3A_169 = tpu.memref_slice %arg3[%add3A, %dma_wait3A_166, %dma_wait3A_167, %dma_wait3A_168] : memref<32x79x2x128xi32, #tpu.memory_space<hbm>> -> memref<1x1x2x128xi32, #tpu.memory_space<hbm>>
        %dma_wait3A_170 = tpu.memref_squeeze %dma_wait3A_169 : memref<1x1x2x128xi32, #tpu.memory_space<hbm>> -> memref<2x128xi32, #tpu.memory_space<hbm>>
        %dma_wait3A_171 = arith.constant 0 : i32
        %dma_wait3A_172 = arith.constant 0 : i32
        %dma_wait3A_173 = tpu.memref_slice %arg3[%add3A, %dma_wait3A_166, %dma_wait3A_171, %dma_wait3A_172] : memref<32x79x2x128xi32, #tpu.memory_space<hbm>> -> memref<1x1x2x128xi32, #tpu.memory_space<hbm>>
        %dma_wait3A_174 = tpu.memref_squeeze %dma_wait3A_173 : memref<1x1x2x128xi32, #tpu.memory_space<hbm>> -> memref<2x128xi32, #tpu.memory_space<hbm>>
        tpu.wait_dma2 semaphore(%arg14 : memref<!tpu.dma_semaphore, #tpu.memory_space<semaphore_mem>>) src(%dma_wait3A_174 : memref<2x128xi32, #tpu.memory_space<hbm>>) dst(%arg5 : memref<2x128xi32, #tpu.memory_space<vmem>>)
        %dma_start3A_175 = arith.constant 0 : i32
        %dma_start3A_176 = arith.constant 0 : i32
        %dma_start3A_177 = tpu.memref_slice %arg5[%dma_start3A_175, %dma_start3A_176] : memref<2x128xi32, #tpu.memory_space<vmem>> -> memref<1x128xi32, #tpu.memory_space<vmem>>
        %dma_start3A_178 = tpu.memref_squeeze %dma_start3A_177 : memref<1x128xi32, #tpu.memory_space<vmem>> -> memref<128xi32, #tpu.memory_space<vmem>>
        %dma_start3A_179 = arith.constant 0 : i32
        %dma_start3A_180 = arith.constant 0 : i32
        %dma_start3A_181 = tpu.memref_slice %arg2[%dma_start3A_179, %dma_start3A_180] : memref<10000x128xf32, #tpu.memory_space<hbm>> -> memref<10000x128xf32, #tpu.memory_space<hbm>>
        tpu.enqueue_indirect_dma source(%dma_start3A_181 : memref<10000x128xf32, #tpu.memory_space<hbm>>) target(%arg8 : memref<128x128xf32, #tpu.memory_space<vmem>>) offsets(%dma_start3A_178 : memref<128xi32, #tpu.memory_space<vmem>>) semaphore(%arg11 : memref<!tpu.dma_semaphore, #tpu.memory_space<semaphore_mem>>)
      } else {
      }
      %dma_wait3A_126 = arith.constant 0 : i32
      %dma_wait3A_127 = arith.constant 0 : i32
      %dma_wait3A_128 = tpu.memref_slice %arg6[%dma_wait3A_126, %dma_wait3A_127] : memref<2x128xi32, #tpu.memory_space<vmem>> -> memref<1x128xi32, #tpu.memory_space<vmem>>
      %dma_wait3A_129 = tpu.memref_squeeze %dma_wait3A_128 : memref<1x128xi32, #tpu.memory_space<vmem>> -> memref<128xi32, #tpu.memory_space<vmem>>
      %dma_wait3A_130 = arith.constant 0 : i32
      %dma_wait3A_131 = arith.constant 0 : i32
      %dma_wait3A_132 = tpu.memref_slice %arg2[%dma_wait3A_130, %dma_wait3A_131] : memref<10000x128xf32, #tpu.memory_space<hbm>> -> memref<10000x128xf32, #tpu.memory_space<hbm>>
      tpu.wait_indirect_dma semaphore(%arg12 : memref<!tpu.dma_semaphore, #tpu.memory_space<semaphore_mem>>) src(%dma_wait3A_132 : memref<10000x128xf32, #tpu.memory_space<hbm>>) dst(%arg9 : memref<128x128xf32, #tpu.memory_space<vmem>>)
      %run_scoped3A_133 = arith.constant 1 : i32
      "tpu.region"() ({
        %run_scoped3A_166 = tpu.sem_alloc : memref<!tpu.dma_semaphore, #tpu.memory_space<semaphore_mem>>
        %dma_start3A_167 = arith.constant 0 : i32
        %dma_start3A_168 = tpu.memref_slice %arg6[%run_scoped3A_133, %dma_start3A_167] : memref<2x128xi32, #tpu.memory_space<vmem>> -> memref<1x128xi32, #tpu.memory_space<vmem>>
        %dma_start3A_169 = tpu.memref_squeeze %dma_start3A_168 : memref<1x128xi32, #tpu.memory_space<vmem>> -> memref<128xi32, #tpu.memory_space<vmem>>
        %dma_start3A_170 = arith.constant 0 : i32
        %dma_start3A_171 = arith.constant 0 : i32
        %dma_start3A_172 = tpu.memref_slice %arg17[%dma_start3A_170, %dma_start3A_171] : memref<10112x128xf32, #tpu.memory_space<vmem_shared>> -> memref<10112x128xf32, #tpu.memory_space<vmem_shared>>
        tpu.enqueue_indirect_dma source(%arg9 : memref<128x128xf32, #tpu.memory_space<vmem>>) target(%dma_start3A_172 : memref<10112x128xf32, #tpu.memory_space<vmem_shared>>) offsets(%dma_start3A_169 : memref<128xi32, #tpu.memory_space<vmem>>) semaphore(%run_scoped3A_166 : memref<!tpu.dma_semaphore, #tpu.memory_space<semaphore_mem>>) {add = true}
        %dma_wait3A_173 = arith.constant 0 : i32
        %dma_wait3A_174 = tpu.memref_slice %arg6[%run_scoped3A_133, %dma_wait3A_173] : memref<2x128xi32, #tpu.memory_space<vmem>> -> memref<1x128xi32, #tpu.memory_space<vmem>>
        %dma_wait3A_175 = tpu.memref_squeeze %dma_wait3A_174 : memref<1x128xi32, #tpu.memory_space<vmem>> -> memref<128xi32, #tpu.memory_space<vmem>>
        %dma_wait3A_176 = arith.constant 0 : i32
        %dma_wait3A_177 = arith.constant 0 : i32
        %dma_wait3A_178 = tpu.memref_slice %arg17[%dma_wait3A_176, %dma_wait3A_177] : memref<10112x128xf32, #tpu.memory_space<vmem_shared>> -> memref<10112x128xf32, #tpu.memory_space<vmem_shared>>
        tpu.wait_indirect_dma semaphore(%run_scoped3A_166 : memref<!tpu.dma_semaphore, #tpu.memory_space<semaphore_mem>>) src(%arg9 : memref<128x128xf32, #tpu.memory_space<vmem>>) dst(%dma_wait3A_178 : memref<10112x128xf32, #tpu.memory_space<vmem_shared>>)
        tpu.yield
      }) : () -> ()
      %add3A_134 = arith.constant 3 : i32
      %add3A_135 = arith.addi %add3A_118, %add3A_134 : i32
      %lt3A_136 = arith.constant 79 : i32
      %lt3A_137 = arith.cmpi slt, %add3A_135, %lt3A_136 : i32
      %convert_element_type3A_138 = arith.extui %lt3A_137 : i1 to i32
      %cond3A_139 = arith.constant 0 : i32
      %cond3A_140 = arith.cmpi ne, %convert_element_type3A_138, %cond3A_139 : i32
      scf.if %cond3A_140 {
        %add3A_166 = arith.constant 3 : i32
        %add3A_167 = arith.addi %add3A_118, %add3A_166 : i32
        %dma_start3A_168 = arith.constant 0 : i32
        %dma_start3A_169 = arith.constant 0 : i32
        %dma_start3A_170 = tpu.memref_slice %arg3[%add3A, %add3A_167, %dma_start3A_168, %dma_start3A_169] : memref<32x79x2x128xi32, #tpu.memory_space<hbm>> -> memref<1x1x2x128xi32, #tpu.memory_space<hbm>>
        %dma_start3A_171 = tpu.memref_squeeze %dma_start3A_170 : memref<1x1x2x128xi32, #tpu.memory_space<hbm>> -> memref<2x128xi32, #tpu.memory_space<hbm>>
        %dma_start3A_172 = arith.constant 0 : i32
        %dma_start3A_173 = arith.constant 0 : i32
        %dma_start3A_174 = tpu.memref_slice %arg3[%add3A, %add3A_167, %dma_start3A_172, %dma_start3A_173] : memref<32x79x2x128xi32, #tpu.memory_space<hbm>> -> memref<1x1x2x128xi32, #tpu.memory_space<hbm>>
        %dma_start3A_175 = tpu.memref_squeeze %dma_start3A_174 : memref<1x1x2x128xi32, #tpu.memory_space<hbm>> -> memref<2x128xi32, #tpu.memory_space<hbm>>
        tpu.enqueue_dma source(%dma_start3A_175 : memref<2x128xi32, #tpu.memory_space<hbm>>) target(%arg6 : memref<2x128xi32, #tpu.memory_space<vmem>>) target_semaphore(%arg15 : memref<!tpu.dma_semaphore, #tpu.memory_space<semaphore_mem>>)
      } else {
      }
      %add3A_141 = arith.constant 2 : i32
      %add3A_142 = arith.addi %mul3A_97, %add3A_141 : i32
      %add3A_143 = arith.constant 2 : i32
      %add3A_144 = arith.addi %add3A_142, %add3A_143 : i32
      %lt3A_145 = arith.constant 79 : i32
      %lt3A_146 = arith.cmpi slt, %add3A_144, %lt3A_145 : i32
      %convert_element_type3A_147 = arith.extui %lt3A_146 : i1 to i32
      %cond3A_148 = arith.constant 0 : i32
      %cond3A_149 = arith.cmpi ne, %convert_element_type3A_147, %cond3A_148 : i32
      scf.if %cond3A_149 {
        %dma_wait3A_166 = arith.constant 0 : i32
        %dma_wait3A_167 = arith.constant 0 : i32
        %dma_wait3A_168 = arith.constant 0 : i32
        %dma_wait3A_169 = tpu.memref_slice %arg3[%add3A, %dma_wait3A_166, %dma_wait3A_167, %dma_wait3A_168] : memref<32x79x2x128xi32, #tpu.memory_space<hbm>> -> memref<1x1x2x128xi32, #tpu.memory_space<hbm>>
        %dma_wait3A_170 = tpu.memref_squeeze %dma_wait3A_169 : memref<1x1x2x128xi32, #tpu.memory_space<hbm>> -> memref<2x128xi32, #tpu.memory_space<hbm>>
        %dma_wait3A_171 = arith.constant 0 : i32
        %dma_wait3A_172 = arith.constant 0 : i32
        %dma_wait3A_173 = tpu.memref_slice %arg3[%add3A, %dma_wait3A_166, %dma_wait3A_171, %dma_wait3A_172] : memref<32x79x2x128xi32, #tpu.memory_space<hbm>> -> memref<1x1x2x128xi32, #tpu.memory_space<hbm>>
        %dma_wait3A_174 = tpu.memref_squeeze %dma_wait3A_173 : memref<1x1x2x128xi32, #tpu.memory_space<hbm>> -> memref<2x128xi32, #tpu.memory_space<hbm>>
        tpu.wait_dma2 semaphore(%arg15 : memref<!tpu.dma_semaphore, #tpu.memory_space<semaphore_mem>>) src(%dma_wait3A_174 : memref<2x128xi32, #tpu.memory_space<hbm>>) dst(%arg6 : memref<2x128xi32, #tpu.memory_space<vmem>>)
        %dma_start3A_175 = arith.constant 0 : i32
        %dma_start3A_176 = arith.constant 0 : i32
        %dma_start3A_177 = tpu.memref_slice %arg6[%dma_start3A_175, %dma_start3A_176] : memref<2x128xi32, #tpu.memory_space<vmem>> -> memref<1x128xi32, #tpu.memory_space<vmem>>
        %dma_start3A_178 = tpu.memref_squeeze %dma_start3A_177 : memref<1x128xi32, #tpu.memory_space<vmem>> -> memref<128xi32, #tpu.memory_space<vmem>>
        %dma_start3A_179 = arith.constant 0 : i32
        %dma_start3A_180 = arith.constant 0 : i32
        %dma_start3A_181 = tpu.memref_slice %arg2[%dma_start3A_179, %dma_start3A_180] : memref<10000x128xf32, #tpu.memory_space<hbm>> -> memref<10000x128xf32, #tpu.memory_space<hbm>>
        tpu.enqueue_indirect_dma source(%dma_start3A_181 : memref<10000x128xf32, #tpu.memory_space<hbm>>) target(%arg9 : memref<128x128xf32, #tpu.memory_space<vmem>>) offsets(%dma_start3A_178 : memref<128xi32, #tpu.memory_space<vmem>>) semaphore(%arg12 : memref<!tpu.dma_semaphore, #tpu.memory_space<semaphore_mem>>)
      } else {
      }
      %dma_wait3A_150 = arith.constant 0 : i32
      %dma_wait3A_151 = arith.constant 0 : i32
      %dma_wait3A_152 = tpu.memref_slice %arg7[%dma_wait3A_150, %dma_wait3A_151] : memref<2x128xi32, #tpu.memory_space<vmem>> -> memref<1x128xi32, #tpu.memory_space<vmem>>
      %dma_wait3A_153 = tpu.memref_squeeze %dma_wait3A_152 : memref<1x128xi32, #tpu.memory_space<vmem>> -> memref<128xi32, #tpu.memory_space<vmem>>
      %dma_wait3A_154 = arith.constant 0 : i32
      %dma_wait3A_155 = arith.constant 0 : i32
      %dma_wait3A_156 = tpu.memref_slice %arg2[%dma_wait3A_154, %dma_wait3A_155] : memref<10000x128xf32, #tpu.memory_space<hbm>> -> memref<10000x128xf32, #tpu.memory_space<hbm>>
      tpu.wait_indirect_dma semaphore(%arg13 : memref<!tpu.dma_semaphore, #tpu.memory_space<semaphore_mem>>) src(%dma_wait3A_156 : memref<10000x128xf32, #tpu.memory_space<hbm>>) dst(%arg10 : memref<128x128xf32, #tpu.memory_space<vmem>>)
      %run_scoped3A_157 = arith.constant 1 : i32
      "tpu.region"() ({
        %run_scoped3A_166 = tpu.sem_alloc : memref<!tpu.dma_semaphore, #tpu.memory_space<semaphore_mem>>
        %dma_start3A_167 = arith.constant 0 : i32
        %dma_start3A_168 = tpu.memref_slice %arg7[%run_scoped3A_157, %dma_start3A_167] : memref<2x128xi32, #tpu.memory_space<vmem>> -> memref<1x128xi32, #tpu.memory_space<vmem>>
        %dma_start3A_169 = tpu.memref_squeeze %dma_start3A_168 : memref<1x128xi32, #tpu.memory_space<vmem>> -> memref<128xi32, #tpu.memory_space<vmem>>
        %dma_start3A_170 = arith.constant 0 : i32
        %dma_start3A_171 = arith.constant 0 : i32
        %dma_start3A_172 = tpu.memref_slice %arg17[%dma_start3A_170, %dma_start3A_171] : memref<10112x128xf32, #tpu.memory_space<vmem_shared>> -> memref<10112x128xf32, #tpu.memory_space<vmem_shared>>
        tpu.enqueue_indirect_dma source(%arg10 : memref<128x128xf32, #tpu.memory_space<vmem>>) target(%dma_start3A_172 : memref<10112x128xf32, #tpu.memory_space<vmem_shared>>) offsets(%dma_start3A_169 : memref<128xi32, #tpu.memory_space<vmem>>) semaphore(%run_scoped3A_166 : memref<!tpu.dma_semaphore, #tpu.memory_space<semaphore_mem>>) {add = true}
        %dma_wait3A_173 = arith.constant 0 : i32
        %dma_wait3A_174 = tpu.memref_slice %arg7[%run_scoped3A_157, %dma_wait3A_173] : memref<2x128xi32, #tpu.memory_space<vmem>> -> memref<1x128xi32, #tpu.memory_space<vmem>>
        %dma_wait3A_175 = tpu.memref_squeeze %dma_wait3A_174 : memref<1x128xi32, #tpu.memory_space<vmem>> -> memref<128xi32, #tpu.memory_space<vmem>>
        %dma_wait3A_176 = arith.constant 0 : i32
        %dma_wait3A_177 = arith.constant 0 : i32
        %dma_wait3A_178 = tpu.memref_slice %arg17[%dma_wait3A_176, %dma_wait3A_177] : memref<10112x128xf32, #tpu.memory_space<vmem_shared>> -> memref<10112x128xf32, #tpu.memory_space<vmem_shared>>
        tpu.wait_indirect_dma semaphore(%run_scoped3A_166 : memref<!tpu.dma_semaphore, #tpu.memory_space<semaphore_mem>>) src(%arg10 : memref<128x128xf32, #tpu.memory_space<vmem>>) dst(%dma_wait3A_178 : memref<10112x128xf32, #tpu.memory_space<vmem_shared>>)
        tpu.yield
      }) : () -> ()
      %add3A_158 = arith.constant 3 : i32
      %add3A_159 = arith.addi %add3A_142, %add3A_158 : i32
      %lt3A_160 = arith.constant 79 : i32
      %lt3A_161 = arith.cmpi slt, %add3A_159, %lt3A_160 : i32
      %convert_element_type3A_162 = arith.extui %lt3A_161 : i1 to i32
      %cond3A_163 = arith.constant 0 : i32
      %cond3A_164 = arith.cmpi ne, %convert_element_type3A_162, %cond3A_163 : i32
      scf.if %cond3A_164 {
        %add3A_166 = arith.constant 3 : i32
        %add3A_167 = arith.addi %add3A_142, %add3A_166 : i32
        %dma_start3A_168 = arith.constant 0 : i32
        %dma_start3A_169 = arith.constant 0 : i32
        %dma_start3A_170 = tpu.memref_slice %arg3[%add3A, %add3A_167, %dma_start3A_168, %dma_start3A_169] : memref<32x79x2x128xi32, #tpu.memory_space<hbm>> -> memref<1x1x2x128xi32, #tpu.memory_space<hbm>>
        %dma_start3A_171 = tpu.memref_squeeze %dma_start3A_170 : memref<1x1x2x128xi32, #tpu.memory_space<hbm>> -> memref<2x128xi32, #tpu.memory_space<hbm>>
        %dma_start3A_172 = arith.constant 0 : i32
        %dma_start3A_173 = arith.constant 0 : i32
        %dma_start3A_174 = tpu.memref_slice %arg3[%add3A, %add3A_167, %dma_start3A_172, %dma_start3A_173] : memref<32x79x2x128xi32, #tpu.memory_space<hbm>> -> memref<1x1x2x128xi32, #tpu.memory_space<hbm>>
        %dma_start3A_175 = tpu.memref_squeeze %dma_start3A_174 : memref<1x1x2x128xi32, #tpu.memory_space<hbm>> -> memref<2x128xi32, #tpu.memory_space<hbm>>
        tpu.enqueue_dma source(%dma_start3A_175 : memref<2x128xi32, #tpu.memory_space<hbm>>) target(%arg7 : memref<2x128xi32, #tpu.memory_space<vmem>>) target_semaphore(%arg16 : memref<!tpu.dma_semaphore, #tpu.memory_space<semaphore_mem>>)
      } else {
      }
      %scan3A_165 = arith.constant 0 : i32
      scf.yield %scan3A_165 : i32
    }
    %scan3A_81 = arith.constant 26 : i32
    %dma_wait3A_82 = arith.constant 0 : i32
    %dma_wait3A_83 = arith.constant 0 : i32
    %dma_wait3A_84 = tpu.memref_slice %arg5[%dma_wait3A_82, %dma_wait3A_83] : memref<2x128xi32, #tpu.memory_space<vmem>> -> memref<1x128xi32, #tpu.memory_space<vmem>>
    %dma_wait3A_85 = tpu.memref_squeeze %dma_wait3A_84 : memref<1x128xi32, #tpu.memory_space<vmem>> -> memref<128xi32, #tpu.memory_space<vmem>>
    %dma_wait3A_86 = arith.constant 0 : i32
    %dma_wait3A_87 = arith.constant 0 : i32
    %dma_wait3A_88 = tpu.memref_slice %arg2[%dma_wait3A_86, %dma_wait3A_87] : memref<10000x128xf32, #tpu.memory_space<hbm>> -> memref<10000x128xf32, #tpu.memory_space<hbm>>
    tpu.wait_indirect_dma semaphore(%arg11 : memref<!tpu.dma_semaphore, #tpu.memory_space<semaphore_mem>>) src(%dma_wait3A_88 : memref<10000x128xf32, #tpu.memory_space<hbm>>) dst(%arg8 : memref<128x128xf32, #tpu.memory_space<vmem>>)
    %run_scoped3A = arith.constant 1 : i32
    "tpu.region"() ({
      %run_scoped3A_94 = tpu.sem_alloc : memref<!tpu.dma_semaphore, #tpu.memory_space<semaphore_mem>>
      %dma_start3A_95 = arith.constant 0 : i32
      %dma_start3A_96 = tpu.memref_slice %arg5[%run_scoped3A, %dma_start3A_95] : memref<2x128xi32, #tpu.memory_space<vmem>> -> memref<1x128xi32, #tpu.memory_space<vmem>>
      %dma_start3A_97 = tpu.memref_squeeze %dma_start3A_96 : memref<1x128xi32, #tpu.memory_space<vmem>> -> memref<128xi32, #tpu.memory_space<vmem>>
      %dma_start3A_98 = arith.constant 0 : i32
      %dma_start3A_99 = arith.constant 0 : i32
      %dma_start3A_100 = tpu.memref_slice %arg17[%dma_start3A_98, %dma_start3A_99] : memref<10112x128xf32, #tpu.memory_space<vmem_shared>> -> memref<10112x128xf32, #tpu.memory_space<vmem_shared>>
      tpu.enqueue_indirect_dma source(%arg8 : memref<128x128xf32, #tpu.memory_space<vmem>>) target(%dma_start3A_100 : memref<10112x128xf32, #tpu.memory_space<vmem_shared>>) offsets(%dma_start3A_97 : memref<128xi32, #tpu.memory_space<vmem>>) semaphore(%run_scoped3A_94 : memref<!tpu.dma_semaphore, #tpu.memory_space<semaphore_mem>>) {add = true}
      %dma_wait3A_101 = arith.constant 0 : i32
      %dma_wait3A_102 = tpu.memref_slice %arg5[%run_scoped3A, %dma_wait3A_101] : memref<2x128xi32, #tpu.memory_space<vmem>> -> memref<1x128xi32, #tpu.memory_space<vmem>>
      %dma_wait3A_103 = tpu.memref_squeeze %dma_wait3A_102 : memref<1x128xi32, #tpu.memory_space<vmem>> -> memref<128xi32, #tpu.memory_space<vmem>>
      %dma_wait3A_104 = arith.constant 0 : i32
      %dma_wait3A_105 = arith.constant 0 : i32
      %dma_wait3A_106 = tpu.memref_slice %arg17[%dma_wait3A_104, %dma_wait3A_105] : memref<10112x128xf32, #tpu.memory_space<vmem_shared>> -> memref<10112x128xf32, #tpu.memory_space<vmem_shared>>
      tpu.wait_indirect_dma semaphore(%run_scoped3A_94 : memref<!tpu.dma_semaphore, #tpu.memory_space<semaphore_mem>>) src(%arg8 : memref<128x128xf32, #tpu.memory_space<vmem>>) dst(%dma_wait3A_106 : memref<10112x128xf32, #tpu.memory_space<vmem_shared>>)
      tpu.yield
    }) : () -> ()
    %barrier3A_89 = arith.constant 0 : index
    tpu.barrier barrier_id(%barrier3A_89)
    %mul3A_90 = arith.constant 632 : i32
    %mul3A_91 = arith.muli %arg1, %mul3A_90 : i32
    %mul3A_92 = arith.constant 632 : i32
    %mul3A_93 = arith.muli %arg1, %mul3A_92 : i32
    "tpu.region"() ({
      %run_scoped3A_94 = tpu.sem_alloc : memref<!tpu.dma_semaphore, #tpu.memory_space<semaphore_mem>>
      %dma_start3A_95 = arith.constant 0 : i32
      %dma_start3A_96 = tpu.memref_slice %arg4[%arg0, %mul3A_93, %dma_start3A_95] : memref<2x10112x128xf32, #tpu.memory_space<hbm>> -> memref<1x632x128xf32, #tpu.memory_space<hbm>>
      %dma_start3A_97 = tpu.memref_squeeze %dma_start3A_96 : memref<1x632x128xf32, #tpu.memory_space<hbm>> -> memref<632x128xf32, #tpu.memory_space<hbm>>
      %dma_start3A_98 = arith.constant 0 : i32
      %dma_start3A_99 = tpu.memref_slice %arg17[%mul3A_91, %dma_start3A_98] : memref<10112x128xf32, #tpu.memory_space<vmem_shared>> -> memref<632x128xf32, #tpu.memory_space<vmem_shared>>
      tpu.enqueue_dma source(%dma_start3A_99 : memref<632x128xf32, #tpu.memory_space<vmem_shared>>) target(%dma_start3A_97 : memref<632x128xf32, #tpu.memory_space<hbm>>) target_semaphore(%run_scoped3A_94 : memref<!tpu.dma_semaphore, #tpu.memory_space<semaphore_mem>>)
      %dma_wait3A_100 = arith.constant 0 : i32
      %dma_wait3A_101 = tpu.memref_slice %arg4[%arg0, %mul3A_93, %dma_wait3A_100] : memref<2x10112x128xf32, #tpu.memory_space<hbm>> -> memref<1x632x128xf32, #tpu.memory_space<hbm>>
      %dma_wait3A_102 = tpu.memref_squeeze %dma_wait3A_101 : memref<1x632x128xf32, #tpu.memory_space<hbm>> -> memref<632x128xf32, #tpu.memory_space<hbm>>
      %dma_wait3A_103 = arith.constant 0 : i32
      %dma_wait3A_104 = tpu.memref_slice %arg17[%mul3A_91, %dma_wait3A_103] : memref<10112x128xf32, #tpu.memory_space<vmem_shared>> -> memref<632x128xf32, #tpu.memory_space<vmem_shared>>
      tpu.wait_dma2 semaphore(%run_scoped3A_94 : memref<!tpu.dma_semaphore, #tpu.memory_space<semaphore_mem>>) src(%dma_wait3A_104 : memref<632x128xf32, #tpu.memory_space<vmem_shared>>) dst(%dma_wait3A_102 : memref<632x128xf32, #tpu.memory_space<hbm>>)
      tpu.yield
    }) : () -> ()
    return
  }
}

module attributes {stable_mosaic.version = 14 : i64} {
  func.func @_tc_prescale_body(%arg0: i32, %arg1: memref<1000x1xf32, #tpu.memory_space<vmem>>, %arg2: memref<1000x1xf32, #tpu.memory_space<vmem>>, %arg3: memref<1000x128xf32, #tpu.memory_space<vmem>>, %arg4: memref<1000x128xf32, #tpu.memory_space<vmem>>, %arg5: memref<1000x1xf32, #tpu.memory_space<vmem>>) attributes {dimension_semantics = [#tpu.dimension_semantics<arbitrary>], iteration_bounds = array<i64: 10>, scalar_prefetch = 0 : i64, scratch_operands = 0 : i64, tpu.core_type = #tpu.core_type<tc>, window_params = [{transform_indices = @transform_0, window_bounds = array<i64: 1000, 1>}, {transform_indices = @transform_1, window_bounds = array<i64: 1000, 1>}, {transform_indices = @transform_2, window_bounds = array<i64: 1000, 128>}, {transform_indices = @transform_3, window_bounds = array<i64: 1000, 128>}, {transform_indices = @transform_4, window_bounds = array<i64: 1000, 1>}]} {
    %get3A = arith.constant 0 : index
    %get3A_0 = arith.constant 0 : index
    %get3A_1 = vector.load %arg1[%get3A, %get3A_0] : memref<1000x1xf32, #tpu.memory_space<vmem>>, vector<1000x1xf32>
    %get3A_2 = arith.constant 0 : index
    %get3A_3 = arith.constant 0 : index
    %get3A_4 = vector.load %arg2[%get3A_2, %get3A_3] : memref<1000x1xf32, #tpu.memory_space<vmem>>, vector<1000x1xf32>
    %add3A = arith.addf %get3A_1, %get3A_4 : vector<1000x1xf32>
    %add3A_5 = arith.constant 1.000000e+00 : f32
    %add3A_6 = vector.broadcast %add3A_5 : f32 to vector<1000x1xf32>
    %add3A_7 = arith.addf %add3A, %add3A_6 : vector<1000x1xf32>
    %rsqrt3A = math.rsqrt %add3A_7 : vector<1000x1xf32>
    %swap3A = arith.constant 0 : index
    %swap3A_8 = arith.constant 0 : index
    %swap3A_9 = vector.load %arg5[%swap3A, %swap3A_8] : memref<1000x1xf32, #tpu.memory_space<vmem>>, vector<1000x1xf32>
    tpu.vector_store %arg5[%swap3A, %swap3A_8], %rsqrt3A {strides = array<i32>} : memref<1000x1xf32, #tpu.memory_space<vmem>>, vector<1000x1xf32>,
    %get3A_10 = arith.constant 0 : index
    %get3A_11 = arith.constant 0 : index
    %get3A_12 = vector.load %arg3[%get3A_10, %get3A_11] : memref<1000x128xf32, #tpu.memory_space<vmem>>, vector<1000x128xf32>
    %mul3A = vector.broadcast %rsqrt3A : vector<1000x1xf32> to vector<1000x128xf32>
    %mul3A_13 = arith.mulf %get3A_12, %mul3A : vector<1000x128xf32>
    %swap3A_14 = arith.constant 0 : index
    %swap3A_15 = arith.constant 0 : index
    %swap3A_16 = vector.load %arg4[%swap3A_14, %swap3A_15] : memref<1000x128xf32, #tpu.memory_space<vmem>>, vector<1000x128xf32>
    tpu.vector_store %arg4[%swap3A_14, %swap3A_15], %mul3A_13 {strides = array<i32>} : memref<1000x128xf32, #tpu.memory_space<vmem>>, vector<1000x128xf32>,
    return
  }
  func.func @transform_0(%arg0: i32) -> (i32, i32) {
    %c0_i32 = arith.constant 0 : i32
    %c0_i32_0 = arith.constant 0 : i32
    return %arg0, %c0_i32 : i32, i32
  }
  func.func @transform_1(%arg0: i32) -> (i32, i32) {
    %c0_i32 = arith.constant 0 : i32
    %c0_i32_0 = arith.constant 0 : i32
    return %arg0, %c0_i32 : i32, i32
  }
  func.func @transform_2(%arg0: i32) -> (i32, i32) {
    %c0_i32 = arith.constant 0 : i32
    %c0_i32_0 = arith.constant 0 : i32
    return %arg0, %c0_i32 : i32, i32
  }
  func.func @transform_3(%arg0: i32) -> (i32, i32) {
    %c0_i32 = arith.constant 0 : i32
    %c0_i32_0 = arith.constant 0 : i32
    return %arg0, %c0_i32 : i32, i32
  }
  func.func @transform_4(%arg0: i32) -> (i32, i32) {
    %c0_i32 = arith.constant 0 : i32
    %c0_i32_0 = arith.constant 0 : i32
    return %arg0, %c0_i32 : i32, i32
  }
}

module attributes {stable_mosaic.version = 14 : i64} {
  func.func @_tc_mid_body(%arg0: i32, %arg1: memref<2x1000x128xf32, #tpu.memory_space<vmem>>, %arg2: memref<1000x128xf32, #tpu.memory_space<vmem>>, %arg3: memref<1000x1xf32, #tpu.memory_space<vmem>>, %arg4: memref<128x128xf32, #tpu.memory_space<vmem>>, %arg5: memref<128xf32, #tpu.memory_space<vmem>>, %arg6: memref<1000x128xf32, #tpu.memory_space<vmem>>) attributes {dimension_semantics = [#tpu.dimension_semantics<arbitrary>], iteration_bounds = array<i64: 10>, scalar_prefetch = 0 : i64, scratch_operands = 0 : i64, tpu.core_type = #tpu.core_type<tc>, window_params = [{transform_indices = @transform_0, window_bounds = array<i64: 2, 1000, 128>}, {transform_indices = @transform_1, window_bounds = array<i64: 1000, 128>}, {transform_indices = @transform_2, window_bounds = array<i64: 1000, 1>}, {pipeline_mode = #tpu.pipeline_mode<synchronous>, transform_indices = @transform_3, window_bounds = array<i64: 128, 128>}, {pipeline_mode = #tpu.pipeline_mode<synchronous>, transform_indices = @transform_4, window_bounds = array<i64: 128>}, {transform_indices = @transform_5, window_bounds = array<i64: 1000, 128>}]} {
    %get3A = arith.constant 0 : index
    %get3A_0 = arith.constant 0 : index
    %get3A_1 = vector.load %arg3[%get3A, %get3A_0] : memref<1000x1xf32, #tpu.memory_space<vmem>>, vector<1000x1xf32>
    %get3A_2 = arith.constant 0 : index
    %get3A_3 = arith.constant 0 : index
    %get3A_4 = arith.constant 0 : index
    %get3A_5 = vector.load %arg1[%get3A_2, %get3A_3, %get3A_4] : memref<2x1000x128xf32, #tpu.memory_space<vmem>>, vector<2x1000x128xf32>
    %slice3A = vector.extract_strided_slice %get3A_5 {offsets = [0, 0, 0], sizes = [1, 1000, 128], strides = [1, 1, 1]} : vector<2x1000x128xf32> to vector<1x1000x128xf32>
    %squeeze3A = vector.shape_cast %slice3A : vector<1x1000x128xf32> to vector<1000x128xf32>
    %slice3A_6 = vector.extract_strided_slice %get3A_5 {offsets = [1, 0, 0], sizes = [1, 1000, 128], strides = [1, 1, 1]} : vector<2x1000x128xf32> to vector<1x1000x128xf32>
    %squeeze3A_7 = vector.shape_cast %slice3A_6 : vector<1x1000x128xf32> to vector<1000x128xf32>
    %add3A = arith.addf %squeeze3A, %squeeze3A_7 : vector<1000x128xf32>
    %get3A_8 = arith.constant 0 : index
    %get3A_9 = arith.constant 0 : index
    %get3A_10 = vector.load %arg2[%get3A_8, %get3A_9] : memref<1000x128xf32, #tpu.memory_space<vmem>>, vector<1000x128xf32>
    %add3A_11 = arith.addf %add3A, %get3A_10 : vector<1000x128xf32>
    %mul3A = vector.broadcast %get3A_1 : vector<1000x1xf32> to vector<1000x128xf32>
    %mul3A_12 = arith.mulf %add3A_11, %mul3A : vector<1000x128xf32>
    %get3A_13 = arith.constant 0 : index
    %get3A_14 = arith.constant 0 : index
    %get3A_15 = vector.load %arg4[%get3A_13, %get3A_14] : memref<128x128xf32, #tpu.memory_space<vmem>>, vector<128x128xf32>
    %dot_general3A = arith.constant dense<0.000000e+00> : vector<1000x128xf32>
    %dot_general3A_16 = tpu.matmul %mul3A_12, %get3A_15, %dot_general3A {dimension_numbers = #tpu.dot_dimension_numbers<[1], [0], [0], [1], [0, 0, 1, 1], [], []>, precision = #tpu.contract_precision<fp32>, transpose_lhs_hint = false} : vector<1000x128xf32>, vector<128x128xf32>, vector<1000x128xf32> -> vector<1000x128xf32>
    %get3A_17 = arith.constant 0 : index
    %get3A_18 = vector.load %arg5[%get3A_17] : memref<128xf32, #tpu.memory_space<vmem>>, vector<128xf32>
    %broadcast_in_dim3A = vector.shape_cast %get3A_18 : vector<128xf32> to vector<1x128xf32>
    %add3A_19 = vector.broadcast %broadcast_in_dim3A : vector<1x128xf32> to vector<1000x128xf32>
    %add3A_20 = arith.addf %dot_general3A_16, %add3A_19 : vector<1000x128xf32>
    %max3A = arith.constant 0.000000e+00 : f32
    %max3A_21 = vector.broadcast %max3A : f32 to vector<1000x128xf32>
    %max3A_22 = arith.maximumf %add3A_20, %max3A_21 : vector<1000x128xf32>
    %mul3A_23 = vector.broadcast %get3A_1 : vector<1000x1xf32> to vector<1000x128xf32>
    %mul3A_24 = arith.mulf %max3A_22, %mul3A_23 : vector<1000x128xf32>
    %swap3A = arith.constant 0 : index
    %swap3A_25 = arith.constant 0 : index
    %swap3A_26 = vector.load %arg6[%swap3A, %swap3A_25] : memref<1000x128xf32, #tpu.memory_space<vmem>>, vector<1000x128xf32>
    tpu.vector_store %arg6[%swap3A, %swap3A_25], %mul3A_24 {strides = array<i32>} : memref<1000x128xf32, #tpu.memory_space<vmem>>, vector<1000x128xf32>,
    return
  }
  func.func @transform_0(%arg0: i32) -> (i32, i32, i32) {
    %c0_i32 = arith.constant 0 : i32
    %c0_i32_0 = arith.constant 0 : i32
    %c0_i32_1 = arith.constant 0 : i32
    return %c0_i32, %arg0, %c0_i32_0 : i32, i32, i32
  }
  func.func @transform_1(%arg0: i32) -> (i32, i32) {
    %c0_i32 = arith.constant 0 : i32
    %c0_i32_0 = arith.constant 0 : i32
    return %arg0, %c0_i32 : i32, i32
  }
  func.func @transform_2(%arg0: i32) -> (i32, i32) {
    %c0_i32 = arith.constant 0 : i32
    %c0_i32_0 = arith.constant 0 : i32
    return %arg0, %c0_i32 : i32, i32
  }
  func.func @transform_3(%arg0: i32) -> (i32, i32) {
    %c0_i32 = arith.constant 0 : i32
    %c0_i32_0 = arith.constant 0 : i32
    %c0_i32_1 = arith.constant 0 : i32
    return %c0_i32, %c0_i32_0 : i32, i32
  }
  func.func @transform_4(%arg0: i32) -> i32 {
    %c0_i32 = arith.constant 0 : i32
    %c0_i32_0 = arith.constant 0 : i32
    return %c0_i32 : i32
  }
  func.func @transform_5(%arg0: i32) -> (i32, i32) {
    %c0_i32 = arith.constant 0 : i32
    %c0_i32_0 = arith.constant 0 : i32
    return %arg0, %c0_i32 : i32, i32
  }
}

module attributes {stable_mosaic.version = 14 : i64} {
  func.func @_tc_final_body(%arg0: i32, %arg1: memref<2x1000x128xf32, #tpu.memory_space<vmem>>, %arg2: memref<1000x128xf32, #tpu.memory_space<vmem>>, %arg3: memref<1000x1xf32, #tpu.memory_space<vmem>>, %arg4: memref<128x128xf32, #tpu.memory_space<vmem>>, %arg5: memref<128xf32, #tpu.memory_space<vmem>>, %arg6: memref<1000x64xf32, #tpu.memory_space<vmem>>, %arg7: memref<1000x64xf32, #tpu.memory_space<vmem>>) attributes {dimension_semantics = [#tpu.dimension_semantics<arbitrary>], iteration_bounds = array<i64: 10>, scalar_prefetch = 0 : i64, scratch_operands = 0 : i64, tpu.core_type = #tpu.core_type<tc>, window_params = [{transform_indices = @transform_0, window_bounds = array<i64: 2, 1000, 128>}, {transform_indices = @transform_1, window_bounds = array<i64: 1000, 128>}, {transform_indices = @transform_2, window_bounds = array<i64: 1000, 1>}, {pipeline_mode = #tpu.pipeline_mode<synchronous>, transform_indices = @transform_3, window_bounds = array<i64: 128, 128>}, {pipeline_mode = #tpu.pipeline_mode<synchronous>, transform_indices = @transform_4, window_bounds = array<i64: 128>}, {transform_indices = @transform_5, window_bounds = array<i64: 1000, 64>}, {transform_indices = @transform_6, window_bounds = array<i64: 1000, 64>}]} {
    %get3A = arith.constant 0 : index
    %get3A_0 = arith.constant 0 : index
    %get3A_1 = vector.load %arg3[%get3A, %get3A_0] : memref<1000x1xf32, #tpu.memory_space<vmem>>, vector<1000x1xf32>
    %get3A_2 = arith.constant 0 : index
    %get3A_3 = arith.constant 0 : index
    %get3A_4 = arith.constant 0 : index
    %get3A_5 = vector.load %arg1[%get3A_2, %get3A_3, %get3A_4] : memref<2x1000x128xf32, #tpu.memory_space<vmem>>, vector<2x1000x128xf32>
    %slice3A = vector.extract_strided_slice %get3A_5 {offsets = [0, 0, 0], sizes = [1, 1000, 128], strides = [1, 1, 1]} : vector<2x1000x128xf32> to vector<1x1000x128xf32>
    %squeeze3A = vector.shape_cast %slice3A : vector<1x1000x128xf32> to vector<1000x128xf32>
    %slice3A_6 = vector.extract_strided_slice %get3A_5 {offsets = [1, 0, 0], sizes = [1, 1000, 128], strides = [1, 1, 1]} : vector<2x1000x128xf32> to vector<1x1000x128xf32>
    %squeeze3A_7 = vector.shape_cast %slice3A_6 : vector<1x1000x128xf32> to vector<1000x128xf32>
    %add3A = arith.addf %squeeze3A, %squeeze3A_7 : vector<1000x128xf32>
    %get3A_8 = arith.constant 0 : index
    %get3A_9 = arith.constant 0 : index
    %get3A_10 = vector.load %arg2[%get3A_8, %get3A_9] : memref<1000x128xf32, #tpu.memory_space<vmem>>, vector<1000x128xf32>
    %add3A_11 = arith.addf %add3A, %get3A_10 : vector<1000x128xf32>
    %mul3A = vector.broadcast %get3A_1 : vector<1000x1xf32> to vector<1000x128xf32>
    %mul3A_12 = arith.mulf %add3A_11, %mul3A : vector<1000x128xf32>
    %get3A_13 = arith.constant 0 : index
    %get3A_14 = arith.constant 0 : index
    %get3A_15 = vector.load %arg4[%get3A_13, %get3A_14] : memref<128x128xf32, #tpu.memory_space<vmem>>, vector<128x128xf32>
    %dot_general3A = arith.constant dense<0.000000e+00> : vector<1000x128xf32>
    %dot_general3A_16 = tpu.matmul %mul3A_12, %get3A_15, %dot_general3A {dimension_numbers = #tpu.dot_dimension_numbers<[1], [0], [0], [1], [0, 0, 1, 1], [], []>, precision = #tpu.contract_precision<fp32>, transpose_lhs_hint = false} : vector<1000x128xf32>, vector<128x128xf32>, vector<1000x128xf32> -> vector<1000x128xf32>
    %get3A_17 = arith.constant 0 : index
    %get3A_18 = vector.load %arg5[%get3A_17] : memref<128xf32, #tpu.memory_space<vmem>>, vector<128xf32>
    %broadcast_in_dim3A = vector.shape_cast %get3A_18 : vector<128xf32> to vector<1x128xf32>
    %add3A_19 = vector.broadcast %broadcast_in_dim3A : vector<1x128xf32> to vector<1000x128xf32>
    %add3A_20 = arith.addf %dot_general3A_16, %add3A_19 : vector<1000x128xf32>
    %slice3A_21 = vector.extract_strided_slice %add3A_20 {offsets = [0, 0], sizes = [1000, 64], strides = [1, 1]} : vector<1000x128xf32> to vector<1000x64xf32>
    %swap3A = arith.constant 0 : index
    %swap3A_22 = arith.constant 0 : index
    %swap3A_23 = vector.load %arg6[%swap3A, %swap3A_22] : memref<1000x64xf32, #tpu.memory_space<vmem>>, vector<1000x64xf32>
    tpu.vector_store %arg6[%swap3A, %swap3A_22], %slice3A_21 {strides = array<i32>} : memref<1000x64xf32, #tpu.memory_space<vmem>>, vector<1000x64xf32>,
    %slice3A_24 = vector.extract_strided_slice %add3A_20 {offsets = [0, 64], sizes = [1000, 64], strides = [1, 1]} : vector<1000x128xf32> to vector<1000x64xf32>
    %swap3A_25 = arith.constant 0 : index
    %swap3A_26 = arith.constant 0 : index
    %swap3A_27 = vector.load %arg7[%swap3A_25, %swap3A_26] : memref<1000x64xf32, #tpu.memory_space<vmem>>, vector<1000x64xf32>
    tpu.vector_store %arg7[%swap3A_25, %swap3A_26], %slice3A_24 {strides = array<i32>} : memref<1000x64xf32, #tpu.memory_space<vmem>>, vector<1000x64xf32>,
    return
  }
  func.func @transform_0(%arg0: i32) -> (i32, i32, i32) {
    %c0_i32 = arith.constant 0 : i32
    %c0_i32_0 = arith.constant 0 : i32
    %c0_i32_1 = arith.constant 0 : i32
    return %c0_i32, %arg0, %c0_i32_0 : i32, i32, i32
  }
  func.func @transform_1(%arg0: i32) -> (i32, i32) {
    %c0_i32 = arith.constant 0 : i32
    %c0_i32_0 = arith.constant 0 : i32
    return %arg0, %c0_i32 : i32, i32
  }
  func.func @transform_2(%arg0: i32) -> (i32, i32) {
    %c0_i32 = arith.constant 0 : i32
    %c0_i32_0 = arith.constant 0 : i32
    return %arg0, %c0_i32 : i32, i32
  }
  func.func @transform_3(%arg0: i32) -> (i32, i32) {
    %c0_i32 = arith.constant 0 : i32
    %c0_i32_0 = arith.constant 0 : i32
    %c0_i32_1 = arith.constant 0 : i32
    return %c0_i32, %c0_i32_0 : i32, i32
  }
  func.func @transform_4(%arg0: i32) -> i32 {
    %c0_i32 = arith.constant 0 : i32
    %c0_i32_0 = arith.constant 0 : i32
    return %c0_i32 : i32
  }
  func.func @transform_5(%arg0: i32) -> (i32, i32) {
    %c0_i32 = arith.constant 0 : i32
    %c0_i32_0 = arith.constant 0 : i32
    return %arg0, %c0_i32 : i32, i32
  }
  func.func @transform_6(%arg0: i32) -> (i32, i32) {
    %c0_i32 = arith.constant 0 : i32
    %c0_i32_0 = arith.constant 0 : i32
    return %arg0, %c0_i32 : i32, i32
  }
}

</mosaic_0001>

<sc_bundles>
// kernel: kernel.11.cloned.1.call-start
scs
__scs_entry_jumppad:
0x0: {  	(pc) =	sbr.rel $0x88, $3  }
0x1: {  	(tag) =	ssettag $0x0;
	lr =	simm.s32 $0x1  }
0x2: {  	[smem:$0x3F99] =	sst lr;
	_ =	strace $0xD0000000  }
0x3: {  	_ = 	snop  }
0x4: {  	_ = 	snop  }
0x5: {  	_ = 	snop  }
0x6: {  	_ = 	snop  }
0x7: {  	_ = 	snop  }
__scs_overlays_trampoline_lowered:
0x8: {  	[smem:$0x3FA8] =	sst s0  }
0x9: {  	[smem:$0x3FA9] =	sst s1  }
0xa: {  	[smem:$0x3FAA] =	sst s2  }
0xb: {  	[smem:$0x3FAB] =	sst s3  }
0xc: {  	[smem:$0x3FAC] =	sst s4  }
0xd: {  	[smem:$0x3FAD] =	sst s5  }
0xe: {  	[smem:$0x3FAE] =	sst s6  }
0xf: {  	[smem:$0x3FAF] =	sst s7  }
0x10: {  	[smem:$0x3FB0] =	sst s8  }
0x11: {  	[smem:$0x3FB1] =	sst s9;
	s0 =	simm.s32 @!p0 $0x0  }
0x12: {  	s1 =	sld [smem:$0x3F97];
	s0 =	simm.s32 @p0 $0x1  }
0x13: {  	[smem:$0x3FB2] =	sst s0;
	s0 =	simm.s32 @!p1 $0x0  }
0x14: {  	s2 =	sld [smem:$0x3F96];
	s0 =	simm.s32 @p1 $0x1  }
0x15: {  	[smem:$0x3FB3] =	sst s0;
	s0 =	simm.s32 @!p2 $0x0  }
0x16: {  	s3 =	sld [smem:$0x3FDB];
	s0 =	simm.s32 @p2 $0x1  }
0x17: {  	s4 =	simm.s32 $0x1BF5;
	[smem:$0x3FB5] =	sst s0  }
0x18: {  	s0 =	sld [smem:$0x3F98];
	_ =	swait.ge [sflag:s4], $0x0  }
0x19: {  	s7 =	sld [smem:$0x3F99]  }
0x1a: {  	s8 =	sadd.s32 $0xFFFFE003, lr  }
0x1b: {  	s9 =	sadd.s32 $0xFFFFFEF7, lr;
	s5 =	simm.s32 $0xFFFFFFFF;
	p2 =	slt.u32 s8, $0xFFFFF086  }
0x1c: {  	p1 =	slt.u32 s9, $0xF7A;
	s5 =	simm.s32 @!p2 $0x0  }
0x1d: {  	s5 =	simm.s32 @p1 $0x1;
	p0 =	seq.s32 s7, s2  }
0x1e: {  	s7 =	smul.u32 @!p0 $0xF7A, s2;
	p2 =	seq.s32 @!p0 s5, $0x0  }
0x1f: {  	s9 =	smul.u32 $0xF7A, s1;
	s8 =	simm.s32 @!p0 $0x1BF5;
	p2 =	por !p2, p0  }
0x20: {  	[sflag:s8] =	ssyncset.s32 @!p0 $0xFFFFF086;
	s6 =	sadd.s32 @!p0 s3, s7;
	s7 =	simm.s32 @!p0 $0x108  }
0x21: {  	s3 =	sadd.s32 s3, s9;
	s6 =	sadd.s32 @!p0 $0x88, s6;
	s7 =	simm.s32 @p2 $0x1082  }
0x22: {  	[simem:s7], [sflag:s8] =	dma.local @!p0 [hbm:s6], $0xF7A  }
0x23: {  	s9 =	sor.u32 $0xD0000000, s2;
	s6 =	simm.s32 $0x108;
	_ =	swait.ge @!p0 [sflag:s8], $0x0  }
0x24: {  	s3 =	sadd.s32 $0x88, s3;
	s6 =	simm.s32 @!p1 $0x1082;
	[sflag:s4] =	ssyncset.s32 $0xFFFFF086  }
0x25: {  	[simem:s6], [sflag:s4] =	dma.local [hbm:s3], $0xF7A  }
0x26: {  	[smem:$0x3F99] =	sst s1;
	(tag) =	ssettag s2;
	_ =	strace s9  }
0x27: {  	s1 =	sld [smem:$0x3FA9]  }
0x28: {  	s2 =	sld [smem:$0x3FAA]  }
0x29: {  	s4 =	sld [smem:$0x3FAC]  }
0x2a: {  	p0 =	seq.s32 s5, $0x0;
	s5 =	sld [smem:$0x3FAD]  }
0x2b: {  	s6 =	sld [smem:$0x3FAE]  }
0x2c: {  	s7 =	sld [smem:$0x3FAF]  }
0x2d: {  	s3 =	simm.s32 $0x108;
	s8 =	sld [smem:$0x3FB0]  }
0x2e: {  	s3 =	simm.s32 @!p0 $0x1082;
	s9 =	sld [smem:$0x3FB1]  }
0x2f: {  	lr =	sadd.s32 s0, s3;
	s0 =	sld [smem:$0x3FA8]  }
0x30: {  	s3 =	sld [smem:$0x3FAB]  }
0x31: {  	[smem:$0x3FB4] =	sst s10  }
0x32: {  	s10 =	sld [smem:$0x3FB2];
	_ =	sdelay $0x3  }
0x33: {  	p0 =	seq.s32 s10, $0x1;
	s10 =	sld [smem:$0x3FB4];
	_ =	sdelay $0x3  }
0x34: {  	[smem:$0x3FB4] =	sst s10  }
0x35: {  	s10 =	sld [smem:$0x3FB3];
	_ =	sdelay $0x3  }
0x36: {  	p1 =	seq.s32 s10, $0x1;
	s10 =	sld [smem:$0x3FB4];
	_ =	sdelay $0x3  }
0x37: {  	[smem:$0x3FB4] =	sst s10  }
0x38: {  	s10 =	sld [smem:$0x3FB5]  }
0x39: {  	_ = 	snop;
	(pc) =	sbr.ind lr, $3  }
0x3a: {  	_ = 	snop  }
0x3b: {  	_ = 	snop  }
0x3c: {  	p2 =	seq.s32 s10, $0x1;
	s10 =	sld [smem:$0x3FB4]  }
0x3d: {  	_ =	shalt  }
0x3e: {  	_ =	shalt  }
0x3f: {  	_ =	shalt  }
0x40: {  	_ =	shalt  }
0x41: {  	_ =	shalt  }
0x42: {  	_ =	shalt  }
0x43: {  	_ =	shalt  }
0x44: {  	_ =	shalt  }
0x45: {  	_ =	shalt  }
0x46: {  	_ =	shalt  }
0x47: {  	_ =	shalt  }
0x48: {  	_ =	shalt  }
0x49: {  	_ =	shalt  }
0x4a: {  	_ =	shalt  }
0x4b: {  	_ =	shalt  }
0x4c: {  	_ =	shalt  }
0x4d: {  	_ =	shalt  }
0x4e: {  	_ =	shalt  }
0x4f: {  	_ =	shalt  }
0x50: {  	_ =	shalt  }
0x51: {  	_ =	shalt  }
0x52: {  	_ =	shalt  }
0x53: {  	_ =	shalt  }
0x54: {  	_ =	shalt  }
0x55: {  	_ =	shalt  }
0x56: {  	_ =	shalt  }
0x57: {  	_ =	shalt  }
0x58: {  	_ =	shalt  }
0x59: {  	_ =	shalt  }
0x5a: {  	_ =	shalt  }
0x5b: {  	_ =	shalt  }
0x5c: {  	_ =	shalt  }
0x5d: {  	_ =	shalt  }
0x5e: {  	_ =	shalt  }
0x5f: {  	_ =	shalt  }
0x60: {  	_ =	shalt  }
0x61: {  	_ =	shalt  }
0x62: {  	_ =	shalt  }
0x63: {  	_ =	shalt  }
0x64: {  	_ =	shalt  }
0x65: {  	_ =	shalt  }
0x66: {  	_ =	shalt  }
0x67: {  	_ =	shalt  }
0x68: {  	_ =	shalt  }
0x69: {  	_ =	shalt  }
0x6a: {  	_ =	shalt  }
0x6b: {  	_ =	shalt  }
0x6c: {  	_ =	shalt  }
0x6d: {  	_ =	shalt  }
0x6e: {  	_ =	shalt  }
0x6f: {  	_ =	shalt  }
0x70: {  	_ =	shalt  }
0x71: {  	_ =	shalt  }
0x72: {  	_ =	shalt  }
0x73: {  	_ =	shalt  }
0x74: {  	_ =	shalt  }
0x75: {  	_ =	shalt  }
0x76: {  	_ =	shalt  }
0x77: {  	_ =	shalt  }
0x78: {  	_ =	shalt  }
0x79: {  	_ =	shalt  }
0x7a: {  	_ =	shalt  }
0x7b: {  	_ =	shalt  }
0x7c: {  	_ =	shalt  }
0x7d: {  	_ =	shalt  }
0x7e: {  	_ =	shalt  }
0x7f: {  	_ =	shalt  }
0x80: {  	_ =	shalt  }
0x81: {  	_ =	shalt  }
0x82: {  	_ =	shalt  }
0x83: {  	_ =	shalt  }
0x84: {  	_ =	shalt  }
0x85: {  	_ =	shalt  }
0x86: {  	_ =	shalt  }
0x87: {  	_ =	shalt  }
.Lfunc_end0:
.L_simem_size_0:
called_computation.1_lowered:
.L_overlay_start_0:
0x88: {  	s2 =	sld [smem:$0x3FD9]  }
0x89: {  	s3 =	sld [smem:$0x3FFE];
	_ =	sdelay $0x1  }
0x8a: {  	s1 =	srdreg.scid  }
0x8b: {  	s0 =	sand.u32 $0x1, s1  }
0x8c: {  	s14 =	sshll.u32 s0, $0xA;
	s2 =	sadd.s32 s3, s2  }
0x8d: {  	s2 =	sadd.s32 s2, s14  }
0x8e: {  	[smem:$0x3FC0] =	sst s2  }
0x8f: {  	_ = 	snop  }
0x90: {  	s2 =	sld [smem:$0x3FD0];
	_ =	sdelay $0x2  }
0x91: {  	s15 =	simm.s32 $0xA;
	s4 =	simm.s32 $0x10  }
0x92: {  	[smem:s4], [sflag:s15] =	dma.local [hbm:s2], $0x1  }
0x93: {  	_ =	swait.eq [sflag:s15], $0x1  }
0x94: {  	[sflag:s15] =	ssyncset.done $0x0  }
0x95: {  	[sflag:s15] =	ssyncadd.s32 $0xFFFFFFFF  }
0x96: {  	s16 =	sld [smem:$0x11];
	(tm) =	ssettm $0x1  }
0x97: {  	s17 =	sld [smem:$0x3FFB];
	_ =	sdelay $0x3  }
0x98: {  	_ =	strace s17  }
0x99: {  	s3 =	sld [smem:$0x3FFC];
	_ =	sdelay $0x3  }
0x9a: {  	_ =	strace s3  }
0x9b: {  	s3 =	sld [smem:$0x3FFD];
	_ =	sdelay $0x3  }
0x9c: {  	_ =	strace s3  }
0x9d: {  	_ =	strace $0x8FFFFFFF  }
0x9e: {  	s18 =	sld [smem:$0x3FDB];
	_ =	sdelay $0x1  }
0x9f: {  	s19 =	simm.s32 $_scs_section_size  }
0xa0: {  	s5 =	simm.s32 $_size__tile_overlayer_lowered;
	s6 =	simm.s32 $_tile_overlayer_lowered  }
0xa1: {  	s22 =	simm.s32 $0x1BFF;
	s21 =	sshll.u32 s6, $0x1;
	s3 =	sadd.s32 s19, s18  }
0xa2: {  	s7 =	simm.s32 $0x0;
	s20 =	sshll.u32 s5, $0x1;
	s5 =	sadd.s32 s21, s3  }
0xa3: {  	[timem:s7], [sflag:s22] =	dma.local [hbm:s5], s20  }
0xa4: {  	_ =	swait.ge [sflag:s22], s20  }
0xa5: {  	s4 =	ssub.s32 $0x0, s20;
	[sflag:s22] =	ssyncset.done $0x0  }
0xa6: {  	[sflag:s22] =	ssyncadd.s32 s4;
	_ =	sdelay $0x1  }
0xa7: {  	s23 =	simm.s32 $0x1B8B  }
0xa8: {  	_ =	swait.ge [sflag:s23], $0x1  }
0xa9: {  	[sflag:s23] =	ssyncset.done $0x0  }
0xaa: {  	s25 =	simm.s32 $0x1B8E;
	s24 =	sld [smem:$0x3FFE];
	[sflag:s23] =	ssyncadd.s32 $0xFFFFFFFF  }
0xab: {  	s26 =	simm.s32 $execute0_lowered;
	[smem:$0x3FD2] =	sst s25  }
0xac: {  	s5 =	sshll.u32 s26, $0x1;
	_ =	strace $0x80000049;
	[dreg:$0x1] =	wrdreg $0xFFFFFFFF  }
0xad: {  	s28 =	simm.s32 $_size_execute0_lowered;
	s3 =	sadd.s32 s3, s5;
	[dreg:$0x0] =	wrdreg $0x0  }
0xae: {  	s5 =	sshll.u32 s28, $0x1;
	[dreg:$0x2] =	wrdreg s3  }
0xaf: {  	[dreg:$0x3] =	wrdreg s5  }
0xb0: {  	[dreg:$0x4] =	wrdreg $0xC0  }
0xb1: {  	_ =	task [dreg:s7], $0x5FFFF  }
0xb2: {  	[dreg:$0x1] =	wrdreg $0xFFFFFFFF  }
0xb3: {  	[dreg:$0x0] =	wrdreg $0x60  }
0xb4: {  	[dreg:$0x2] =	wrdreg s24  }
0xb5: {  	[dreg:$0x3] =	wrdreg s16  }
0xb6: {  	[dreg:$0x4] =	wrdreg $0xC3000  }
0xb7: {  	[dreg:$0x5] =	wrdreg $0x9  }
0xb8: {  	_ =	task.clear_ibuf [dreg:s7], $0x6FFFF;
	_ =	strace $0x90000049  }
0xb9: {  	s29 =	simm.s32 $0x9;
	_ =	strace $0x8000004B  }
0xba: {  	_ =	swait.ge [sflag:s29], $0x1  }
0xbb: {  	[sflag:s29] =	ssyncadd.s32 $0xFFFFFFFF  }
0xbc: {  	_ =	strace $0x9000004B  }
0xbd: {  	_ =	sfence  }
0xbe: {  	s30 =	sld [smem:$0x0];
	_ =	sdelay $0x2  }
0xbf: {  	s31 =	sshll.u32 s1, $0xD;
	s1 =	sshrl.u32 s1, $0x2  }
0xc0: {  	s3 =	sand.u32 $0x4000, s31;
	s1 =	sadd.s32 s1, s30  }
0xc1: {  	s0 =	sor.u32 s3, s0;
	s1 =	sshll.u32 s1, $0x11  }
0xc2: {  	s0 =	sor.u32 s1, s0  }
0xc3: {  	s0 =	sadd.s32 $0x8F2B, s0  }
0xc4: {  	[sflag:s0] =	ssyncadd.remote.s32 $0x1  }
0xc5: {  	_ =	sfence.sel $0xFFFF  }
0xc6: {  	[dreg:$0x0] =	wrdreg $0xFFFFFFFF;
	(pc) =	sbr.abs _section_cstart, $3  }
0xc7: {  	[dreg:$0x1] =	wrdreg $0xFFFFFFFF  }
0xc8: {  	_ =	task.clear_ibuf [dreg:s7], $0x2FFFF;
	_ =	strace $0x9FFFFFFF  }
0xc9: {  	(tm) =	ssettm $0x7FFFFFFF  }
tec
execute0_lowered:
.L_overlay_start_1:
0x0: {  	(tag) =	ssettag $0x1  }
0x1: {  	s0 =	rddreg [dreg:$0x0]  }
0x2: {  	s2 =	rddreg [dreg:$0x1];
	s1 =	srdreg.scid  }
0x3: {  	s3 =	rddreg [dreg:$0x2];
	s11 =	stileid.u32  }
0x4: {  	s4 =	simm.s32 $0x0;
	s28 =	simm.s32 $0x200;
	s6 =	smul.u32 $0x13C00, s11  }
0x5: {  	s29 =	simm.s32 $0x6;
	s30 =	simm.s32 $0x8300;
	s8 =	smul.u32 $0x4F000, s11  }
0x6: {  	s1 =	sand.u32 $0x1, s1;
	[smem:$0x7FF] =	sst s4;
	s17 =	smul.u32 $0x4F00, s11  }
0x7: {  	s31 =	simm.s32 $0x1;
	s5 =	smul.u32 $0x13C000, s1;
	_ =	strace $0x8000004A  }
0x8: {  	s13 =	sshll.u32 s1, $0x4;
	s7 =	ssub.s32 $0x2, s1;
	s1 =	smul.u32 $0x4F000, s1  }
0x9: {  	s10 =	sshrl.u32 s7, $0x1;
	s15 =	sshrl.u32 s8, $0x2;
	s5 =	sadd.s32 s6, s5  }
0xa: {  	s6 =	sor.u32 s11, s13;
	s14 =	ssub.s32 s7, s10;
	s22 =	sadd.s32 s17, s1  }
0xb: {  	s10 =	simm.s32 $0x0;
	s9 =	sshrl.u32 s5, $0x3;
	s6 =	smul.u32 $0x4F00, s6  }
0xc: {  	s5 =	sadd.s32 $0x2400, s0;
	s21 =	smax.u32 s14, $0x1;
	s25 =	sadd.s32 $0x500, s22  }
0xd: {  	s8 =	sadd.s32 $0x400, s22;
	s0 =	sadd.s32 s9, s0;
	[dreg:$0x8] =	wrdreg s21  }
0xe: {  	s1 =	sshrl.u32 s25, $0x3;
	s26 =	sshrl.u32 s8, $0x3;
	s21 =	simm.s32 $0x7  }
0xf: {  	s25 =	simm.s32 $0x5;
	s8 =	simm.s32 $0x3;
	s9 =	simm.s32 $0x280  }
0x10: {  	s16 =	sshrl.u32 s6, $0x3;
	s6 =	sadd.s32 s15, s3;
	s0 =	sadd.s32 $0x29600, s0  }
0x11: {  	s17 =	sadd.s32 s1, s2;
	s1 =	simm.s32 $0x180;
	s7 =	sadd.s32 s2, s16  }
0x12: {  	s18 =	sadd.s32 $0x10000, s6;
	[dreg:$0x7] =	wrdreg s0;
	s23 =	sadd.s32 $0x4000, s6  }
0x13: {  	s24 =	sadd.s32 $0x8000, s6;
	s15 =	sadd.s32 $0xC000, s6;
	[dreg:$0x4] =	wrdreg s18  }
0x14: {  	s0 =	simm.s32 $0x2;
	s19 =	sadd.s32 $0x20, s7;
	[dreg:$0x9] =	wrdreg s23  }
0x15: {  	s20 =	sadd.s32 $0x40, s7;
	[dreg:$0xa] =	wrdreg s24;
	s16 =	sadd.s32 $0x9C0, s7  }
0x16: {  	s18 =	sadd.s32 s26, s2;
	s23 =	simm.s32 $0x80;
	[dreg:$0x5] =	wrdreg s19  }
0x17: {  	s24 =	simm.s32 $0x100;
	s26 =	simm.s32 $0x4300;
	[dreg:$0x6] =	wrdreg s20  }
0x18: {  	v0 =	vimm.f32 $0.0e+00;
	s19 =	sadd.s32 $0x300, s22;
	s20 =	simm.s32 $0x300;
	s22 =	simm.s32 $0x4  }
.LBB2_1:
0x19: {  	s11 =	simm.s32 $0x0;
	s12 =	simm.s32 $0x200  }
.LBB2_2:
0x1a: {  	p0 =	sne.s32 s12, $0xFE00;
	[tilespmem:s11+$0x370] =	vst v0  }
0x1b: {  	[tilespmem:s11+$0x300] =	vst v0  }
0x1c: {  	[tilespmem:s11+$0x310] =	vst v0  }
.Ltmp0:
0x1d: {  	[tilespmem:s11+$0x320] =	vst v0;
	(pc) =	sbr.rel @p0 .LBB2_2-.Ltmp0, $4  }
0x1e: {  	[tilespmem:s11+$0x330] =	vst v0  }
0x1f: {  	[tilespmem:s11+$0x340] =	vst v0  }
0x20: {  	[tilespmem:s11+$0x350] =	vst v0  }
0x21: {  	[tilespmem:s11+$0x360] =	vst v0;
	s11 =	sshra.s32 s12, $0x2;
	s12 =	sadd.s32 $0x200, s12  }
0x22: {  	[tilespmem:s11+$0x370] =	vst v0  }
0x23: {  	[tilespmem:s11+$0x300] =	vst v0  }
0x24: {  	[tilespmem:s11+$0x310] =	vst v0  }
0x25: {  	[tilespmem:s11+$0x320] =	vst v0  }
0x26: {  	[tilespmem:s11+$0x330] =	vst v0  }
0x27: {  	[tilespmem:s11+$0x340] =	vst v0  }
0x28: {  	[tilespmem:s11+$0x350] =	vst v0  }
0x29: {  	[tilespmem:s11+$0x360] =	vst v0  }
0x2a: {  	[spmem:s6] =	stream.linear.scatter [tilespmem:s20], [sflag:$0x7], $0x4000, $0x38;
	[tilespmem:$0x1FF00] =	vst v63  }
0x2b: {  	_ =	swait.ge [sflag:s21], $0x4000  }
0x2c: {  	[sflag:s21] =	ssyncset.done $0x0  }
0x2d: {  	s13 =	rddreg [dreg:$0x9];
	[sflag:s21] =	ssyncadd.s32 $0xFFFFC000  }
0x2e: {  	[spmem:s13] =	stream.linear.scatter [tilespmem:s20], [sflag:$0x7], $0x4000, $0x38;
	[tilespmem:$0x1FF00] =	vst v63  }
0x2f: {  	_ =	swait.ge [sflag:s21], $0x4000  }
0x30: {  	[sflag:s21] =	ssyncset.done $0x0  }
0x31: {  	s14 =	rddreg [dreg:$0xa];
	[sflag:s21] =	ssyncadd.s32 $0xFFFFC000  }
0x32: {  	[spmem:s14] =	stream.linear.scatter [tilespmem:s20], [sflag:$0x7], $0x4000, $0x38;
	[tilespmem:$0x1FF00] =	vst v63  }
0x33: {  	_ =	swait.ge [sflag:s21], $0x4000  }
0x34: {  	[sflag:s21] =	ssyncset.done $0x0  }
0x35: {  	[sflag:s21] =	ssyncadd.s32 $0xFFFFC000  }
0x36: {  	[spmem:s15] =	stream.linear.scatter [tilespmem:s20], [sflag:$0x7], $0x4000, $0x38;
	[tilespmem:$0x1FF00] =	vst v63  }
0x37: {  	_ =	swait.ge [sflag:s21], $0x4000  }
0x38: {  	[sflag:s21] =	ssyncset.done $0x0  }
0x39: {  	s12 =	rddreg [dreg:$0x4];
	[sflag:s21] =	ssyncadd.s32 $0xFFFFC000  }
0x3a: {  	[spmem:s12] =	stream.linear.scatter [tilespmem:s20], [sflag:$0x7], $0x3C00, $0x38;
	[tilespmem:$0x1FF00] =	vst v63  }
0x3b: {  	_ =	swait.ge [sflag:s21], $0x3C00  }
0x3c: {  	[sflag:s21] =	ssyncset.done $0x0  }
0x3d: {  	[sflag:s21] =	ssyncadd.s32 $0xFFFFC400  }
0x3e: {  	s13 =	simm.s32 $0x0;
	[bflag:$0x0] =	sbarrier.arrive $0xFFFF  }
0x3f: {  	[tilespmem:s13], [sflag:$0x4] =	stream.linear.gather [hbm4b:s7+s13], $0x100, $0x38;
	[tilespmem:$0x1FF00] =	vst v63  }
0x40: {  	_ =	swait.ge [sflag:s22], $0x100  }
0x41: {  	[sflag:s22] =	ssyncset.done $0x0  }
0x42: {  	[sflag:s22] =	ssyncadd.s32 $0xFFFFFF00  }
0x43: {  	[tilespmem:s20], [sflag:$0x1] =	stream.indirect.gather [hbm4b:s5+s23], $0x80, s13, s23, $0xb8;
	[tilespmem:$0x1FF00] =	vst v63  }
0x44: {  	s12 =	rddreg [dreg:$0x5]  }
0x45: {  	[tilespmem:s24], [sflag:$0x5] =	stream.linear.gather [hbm4b:s12+s13], $0x100, $0x38;
	[tilespmem:$0x1FF00] =	vst v63  }
0x46: {  	_ =	swait.ge [sflag:s25], $0x100  }
0x47: {  	[sflag:s25] =	ssyncset.done $0x0  }
0x48: {  	[sflag:s25] =	ssyncadd.s32 $0xFFFFFF00  }
0x49: {  	[tilespmem:s26], [sflag:$0x2] =	stream.indirect.gather [hbm4b:s5+s23], $0x80, s24, s23, $0xb8;
	[tilespmem:$0x1FF00] =	vst v63  }
0x4a: {  	s14 =	rddreg [dreg:$0x6]  }
0x4b: {  	[tilespmem:s28], [sflag:$0x6] =	stream.linear.gather [hbm4b:s14+s13], $0x100, $0x38;
	[tilespmem:$0x1FF00] =	vst v63  }
0x4c: {  	_ =	swait.ge [sflag:s29], $0x100  }
0x4d: {  	[sflag:s29] =	ssyncset.done $0x0  }
0x4e: {  	[sflag:s29] =	ssyncadd.s32 $0xFFFFFF00  }
0x4f: {  	[tilespmem:s30], [sflag:$0x3] =	stream.indirect.gather [hbm4b:s5+s23], $0x80, s28, s23, $0xb8;
	[tilespmem:$0x1FF00] =	vst v63  }
0x50: {  	_ =	swait.ge [sflag:s31], $0x4000  }
0x51: {  	[sflag:s31] =	ssyncset.done $0x0  }
0x52: {  	[sflag:s31] =	ssyncadd.s32 $0xFFFFC000  }
0x53: {  	[spmem:s3] =	stream.indirect.scatter.add.f32 [tilespmem:s20], [sflag:$0x7], $0x80, s23, s23, $0xb8;
	[tilespmem:$0x1FF00] =	vst v63  }
0x54: {  	_ =	swait.ge [sflag:s21], $0x4000  }
0x55: {  	s13 =	sshrl.u32 s19, $0x3;
	[sflag:s21] =	ssyncset.done $0x0  }
0x56: {  	s11 =	sadd.s32 s2, s13;
	[sflag:s21] =	ssyncadd.s32 $0xFFFFC000  }
0x57: {  	[tilespmem:s4], [sflag:$0x4] =	stream.linear.gather [hbm4b:s11+s4], $0x100, $0x38;
	[tilespmem:$0x1FF00] =	vst v63  }
0x58: {  	_ =	swait.ge [sflag:s22], $0x100  }
0x59: {  	[sflag:s22] =	ssyncset.done $0x0  }
0x5a: {  	[sflag:s22] =	ssyncadd.s32 $0xFFFFFF00  }
0x5b: {  	[tilespmem:s20], [sflag:$0x1] =	stream.indirect.gather [hbm4b:s5+s23], $0x80, s4, s23, $0xb8;
	[tilespmem:$0x1FF00] =	vst v63  }
0x5c: {  	_ =	swait.ge [sflag:s0], $0x4000  }
0x5d: {  	[sflag:s0] =	ssyncset.done $0x0  }
0x5e: {  	[sflag:s0] =	ssyncadd.s32 $0xFFFFC000  }
0x5f: {  	[spmem:s3] =	stream.indirect.scatter.add.f32 [tilespmem:s26], [sflag:$0x7], $0x80, s1, s23, $0xb8;
	[tilespmem:$0x1FF00] =	vst v63  }
0x60: {  	_ =	swait.ge [sflag:s21], $0x4000  }
0x61: {  	[sflag:s21] =	ssyncset.done $0x0  }
0x62: {  	s14 =	sadd.s32 $0x0, s18;
	[sflag:s21] =	ssyncadd.s32 $0xFFFFC000  }
0x63: {  	[tilespmem:s24], [sflag:$0x5] =	stream.linear.gather [hbm4b:s14+s4], $0x100, $0x38;
	[tilespmem:$0x1FF00] =	vst v63  }
0x64: {  	_ =	swait.ge [sflag:s25], $0x100  }
0x65: {  	[sflag:s25] =	ssyncset.done $0x0  }
0x66: {  	[sflag:s25] =	ssyncadd.s32 $0xFFFFFF00  }
0x67: {  	[tilespmem:s26], [sflag:$0x2] =	stream.indirect.gather [hbm4b:s5+s23], $0x80, s24, s23, $0xb8;
	[tilespmem:$0x1FF00] =	vst v63  }
0x68: {  	_ =	swait.ge [sflag:s8], $0x4000  }
0x69: {  	[sflag:s8] =	ssyncset.done $0x0  }
0x6a: {  	[sflag:s8] =	ssyncadd.s32 $0xFFFFC000  }
0x6b: {  	[spmem:s3] =	stream.indirect.scatter.add.f32 [tilespmem:s30], [sflag:$0x7], $0x80, s9, s23, $0xb8;
	[tilespmem:$0x1FF00] =	vst v63  }
0x6c: {  	_ =	swait.ge [sflag:s21], $0x4000  }
0x6d: {  	s12 =	sadd.s32 $0x300, s19;
	[sflag:s21] =	ssyncset.done $0x0  }
0x6e: {  	s13 =	sadd.s32 $0x0, s17;
	s11 =	simm.s32 $0x60;
	[sflag:s21] =	ssyncadd.s32 $0xFFFFC000  }
.LBB2_4:
0x6f: {  	[tilespmem:s28], [sflag:$0x6] =	stream.linear.gather [hbm4b:s13+s4], $0x100, $0x38;
	[tilespmem:$0x1FF00] =	vst v63  }
0x70: {  	s13 =	smov.u32 s11  }
0x71: {  	p0 =	sne.s32 s11, $0x900;
	s11 =	sadd.s32 $0x60, s11;
	_ =	swait.ge [sflag:s29], $0x100  }
0x72: {  	[sflag:s29] =	ssyncset.done $0x0  }
0x73: {  	[sflag:s29] =	ssyncadd.s32 $0xFFFFFF00  }
0x74: {  	[tilespmem:s30], [sflag:$0x3] =	stream.indirect.gather [hbm4b:s5+s23], $0x80, s28, s23, $0xb8;
	[tilespmem:$0x1FF00] =	vst v63  }
0x75: {  	_ =	swait.ge [sflag:s31], $0x4000  }
0x76: {  	[sflag:s31] =	ssyncset.done $0x0  }
0x77: {  	[sflag:s31] =	ssyncadd.s32 $0xFFFFC000  }
0x78: {  	[spmem:s3] =	stream.indirect.scatter.add.f32 [tilespmem:s20], [sflag:$0x7], $0x80, s23, s23, $0xb8;
	[tilespmem:$0x1FF00] =	vst v63  }
0x79: {  	_ =	swait.ge [sflag:s21], $0x4000  }
0x7a: {  	s14 =	sshrl.u32 s12, $0x3;
	[sflag:s21] =	ssyncset.done $0x0  }
0x7b: {  	s14 =	sadd.s32 s2, s14;
	[sflag:s21] =	ssyncadd.s32 $0xFFFFC000  }
0x7c: {  	[tilespmem:s4], [sflag:$0x4] =	stream.linear.gather [hbm4b:s14+s4], $0x100, $0x38;
	[tilespmem:$0x1FF00] =	vst v63  }
0x7d: {  	_ =	swait.ge [sflag:s22], $0x100  }
0x7e: {  	[sflag:s22] =	ssyncset.done $0x0  }
0x7f: {  	[sflag:s22] =	ssyncadd.s32 $0xFFFFFF00  }
0x80: {  	[tilespmem:s20], [sflag:$0x1] =	stream.indirect.gather [hbm4b:s5+s23], $0x80, s4, s23, $0xb8;
	[tilespmem:$0x1FF00] =	vst v63  }
0x81: {  	_ =	swait.ge [sflag:s0], $0x4000  }
0x82: {  	[sflag:s0] =	ssyncset.done $0x0  }
0x83: {  	[sflag:s0] =	ssyncadd.s32 $0xFFFFC000  }
0x84: {  	[spmem:s3] =	stream.indirect.scatter.add.f32 [tilespmem:s26], [sflag:$0x7], $0x80, s1, s23, $0xb8;
	[tilespmem:$0x1FF00] =	vst v63  }
0x85: {  	_ =	swait.ge [sflag:s21], $0x4000  }
0x86: {  	[sflag:s21] =	ssyncset.done $0x0  }
0x87: {  	s14 =	sadd.s32 s13, s18;
	[sflag:s21] =	ssyncadd.s32 $0xFFFFC000  }
0x88: {  	[tilespmem:s24], [sflag:$0x5] =	stream.linear.gather [hbm4b:s14+s4], $0x100, $0x38;
	[tilespmem:$0x1FF00] =	vst v63  }
0x89: {  	_ =	swait.ge [sflag:s25], $0x100  }
0x8a: {  	[sflag:s25] =	ssyncset.done $0x0  }
0x8b: {  	[sflag:s25] =	ssyncadd.s32 $0xFFFFFF00  }
0x8c: {  	[tilespmem:s26], [sflag:$0x2] =	stream.indirect.gather [hbm4b:s5+s23], $0x80, s24, s23, $0xb8;
	[tilespmem:$0x1FF00] =	vst v63  }
0x8d: {  	_ =	swait.ge [sflag:s8], $0x4000  }
0x8e: {  	[sflag:s8] =	ssyncset.done $0x0  }
.Ltmp1:
0x8f: {  	[sflag:s8] =	ssyncadd.s32 $0xFFFFC000;
	(pc) =	sbr.rel @p0 .LBB2_4-.Ltmp1, $4  }
0x90: {  	[spmem:s3] =	stream.indirect.scatter.add.f32 [tilespmem:s30], [sflag:$0x7], $0x80, s9, s23, $0xb8;
	[tilespmem:$0x1FF00] =	vst v63  }
0x91: {  	_ =	swait.ge [sflag:s21], $0x4000  }
0x92: {  	[sflag:s21] =	ssyncset.done $0x0  }
0x93: {  	s12 =	sadd.s32 $0x300, s12;
	s13 =	sadd.s32 s13, s17;
	[sflag:s21] =	ssyncadd.s32 $0xFFFFC000  }
0x94: {  	[tilespmem:s28], [sflag:$0x6] =	stream.linear.gather [hbm4b:s13+s4], $0x100, $0x38;
	[tilespmem:$0x1FF00] =	vst v63  }
0x95: {  	_ =	swait.ge [sflag:s29], $0x100  }
0x96: {  	[sflag:s29] =	ssyncset.done $0x0  }
0x97: {  	[sflag:s29] =	ssyncadd.s32 $0xFFFFFF00  }
0x98: {  	[tilespmem:s30], [sflag:$0x3] =	stream.indirect.gather [hbm4b:s5+s23], $0x80, s28, s23, $0xb8;
	[tilespmem:$0x1FF00] =	vst v63  }
0x99: {  	_ =	swait.ge [sflag:s31], $0x4000  }
0x9a: {  	[sflag:s31] =	ssyncset.done $0x0  }
0x9b: {  	[sflag:s31] =	ssyncadd.s32 $0xFFFFC000  }
0x9c: {  	[spmem:s3] =	stream.indirect.scatter.add.f32 [tilespmem:s20], [sflag:$0x7], $0x80, s23, s23, $0xb8;
	[tilespmem:$0x1FF00] =	vst v63  }
0x9d: {  	_ =	swait.ge [sflag:s21], $0x4000  }
0x9e: {  	[sflag:s21] =	ssyncset.done $0x0  }
0x9f: {  	[sflag:s21] =	ssyncadd.s32 $0xFFFFC000  }
0xa0: {  	[tilespmem:s4], [sflag:$0x4] =	stream.linear.gather [hbm4b:s16+s4], $0x100, $0x38;
	[tilespmem:$0x1FF00] =	vst v63  }
0xa1: {  	_ =	swait.ge [sflag:s22], $0x100  }
0xa2: {  	[sflag:s22] =	ssyncset.done $0x0  }
0xa3: {  	[sflag:s22] =	ssyncadd.s32 $0xFFFFFF00  }
0xa4: {  	[tilespmem:s20], [sflag:$0x1] =	stream.indirect.gather [hbm4b:s5+s23], $0x80, s4, s23, $0xb8;
	[tilespmem:$0x1FF00] =	vst v63  }
0xa5: {  	_ =	swait.ge [sflag:s0], $0x4000  }
0xa6: {  	[sflag:s0] =	ssyncset.done $0x0  }
0xa7: {  	[sflag:s0] =	ssyncadd.s32 $0xFFFFC000  }
0xa8: {  	[spmem:s3] =	stream.indirect.scatter.add.f32 [tilespmem:s26], [sflag:$0x7], $0x80, s1, s23, $0xb8;
	[tilespmem:$0x1FF00] =	vst v63  }
0xa9: {  	_ =	swait.ge [sflag:s21], $0x4000  }
0xaa: {  	[sflag:s21] =	ssyncset.done $0x0  }
0xab: {  	[sflag:s21] =	ssyncadd.s32 $0xFFFFC000  }
0xac: {  	_ =	swait.ge [sflag:s8], $0x4000  }
0xad: {  	[sflag:s8] =	ssyncset.done $0x0  }
0xae: {  	[sflag:s8] =	ssyncadd.s32 $0xFFFFC000  }
0xaf: {  	[spmem:s3] =	stream.indirect.scatter.add.f32 [tilespmem:s30], [sflag:$0x7], $0x80, s9, s23, $0xb8;
	[tilespmem:$0x1FF00] =	vst v63  }
0xb0: {  	_ =	swait.ge [sflag:s21], $0x4000  }
0xb1: {  	[sflag:s21] =	ssyncset.done $0x0  }
0xb2: {  	[sflag:s21] =	ssyncadd.s32 $0xFFFFC000  }
0xb3: {  	_ =	swait.ge [sflag:s31], $0x4000  }
0xb4: {  	[sflag:s31] =	ssyncset.done $0x0  }
0xb5: {  	[sflag:s31] =	ssyncadd.s32 $0xFFFFC000  }
0xb6: {  	[spmem:s3] =	stream.indirect.scatter.add.f32 [tilespmem:s20], [sflag:$0x7], $0x80, s23, s23, $0xb8;
	[tilespmem:$0x1FF00] =	vst v63  }
0xb7: {  	_ =	swait.ge [sflag:s21], $0x4000  }
0xb8: {  	[sflag:s21] =	ssyncset.done $0x0  }
0xb9: {  	s11 =	stileid.u32;
	[sflag:s21] =	ssyncadd.s32 $0xFFFFC000  }
0xba: {  	s11 =	sshll.u32 s11, $0x6;
	[bflag:$0x0] =	sbarrier.arrive $0xFFFF  }
0xbb: {  	s12 =	sshrl.u32 s6, $0x3;
	s11 =	sor.u32 $0x1C07, s11;
	s14 =	rddreg [dreg:$0x7]  }
0xbc: {  	[hbm:s14], [sflag:s11] =	dma.local [spmem:s12], $0x2780  }
0xbd: {  	_ =	swait.ge [sflag:s21], $0x2780  }
0xbe: {  	s10 =	sadd.s32 $0x1, s10;
	s14 =	rddreg [dreg:$0x8]  }
0xbf: {  	p0 =	sne.s32 s10, s14  }
.Ltmp2:
0xc0: {  	_ = 	snop;
	(pc) =	sbr.rel @p0 .LBB2_1-.Ltmp2, $3  }
0xc1: {  	_ =	sdelay $0x1  }
0xc2: {  	[sflag:s21] =	ssyncset.done $0x0  }
0xc3: {  	[sflag:s21] =	ssyncadd.s32 $0xFFFFD880  }
0xc4: {  	_ =	sfence.sel $0x180000  }
0xc5: {  	[bflag:$0x0] =	sbarrier.arrive $0xFFFF  }
0xc6: {  	_ =	strace $0x9000004A  }
0xc7: {  	s0 =	stileid.u32;
	[bflag:$0x2] =	sbarrier.arrive $0xFFFF  }
0xc8: {  	p0 =	sne.s32 s0, $0x0;
	s0 =	rddreg [dreg:$0x3]  }
0xc9: {  	s0 =	sadd.s32 @!p0 $0x100000, s0  }
0xca: {  	[sflag:s0] =	ssyncadd.tile.s32 @!p0 $0x1;
	_ =	shalt  }
.Lfunc_end2:
_tile_overlayer_lowered:
.L_overlay_start_2:
0xcb: {  	(tag) =	ssettag $0x2  }
0xcc: {  	s0 =	rddreg [dreg:$0x0];
	s2 =	stileid.u32  }
0xcd: {  	s1 =	rddreg [dreg:$0x1];
	p0 =	sne.s32 s2, $0x0  }
0xce: {  	s3 =	rddreg [dreg:$0x2];
	[bflag:$0x3] =	sbarrier.arrive $0xFFFF;
	s2 =	simm.s32 @!p0 $0x1C07  }
0xcf: {  	[timem:s3], [sflag:s2] =	dma.local @!p0 [hbm:s0], s1  }
0xd0: {  	s0 =	simm.s32 @!p0 $0x7  }
0xd1: {  	_ =	swait.ge @!p0 [sflag:s0], s1  }
0xd2: {  	s1 =	ssub.s32 @!p0 $0x0, s1;
	[sflag:s0] =	ssyncset.done @!p0 $0x0  }
0xd3: {  	[sflag:s0] =	ssyncadd.s32 @!p0 s1  }
0xd4: {  	[bflag:$0x3] =	sbarrier.arrive $0xFFFF  }
0xd5: {  	_ =	shalt  }

// kernel: kernel.14.cloned.1.call-start
scs
__scs_entry_jumppad:
0x0: {  	(pc) =	sbr.rel $0x88, $3  }
0x1: {  	(tag) =	ssettag $0x0;
	lr =	simm.s32 $0x1  }
0x2: {  	[smem:$0x3F99] =	sst lr;
	_ =	strace $0xD0000000  }
0x3: {  	_ = 	snop  }
0x4: {  	_ = 	snop  }
0x5: {  	_ = 	snop  }
0x6: {  	_ = 	snop  }
0x7: {  	_ = 	snop  }
__scs_overlays_trampoline_lowered:
0x8: {  	[smem:$0x3FA8] =	sst s0  }
0x9: {  	[smem:$0x3FA9] =	sst s1  }
0xa: {  	[smem:$0x3FAA] =	sst s2  }
0xb: {  	[smem:$0x3FAB] =	sst s3  }
0xc: {  	[smem:$0x3FAC] =	sst s4  }
0xd: {  	[smem:$0x3FAD] =	sst s5  }
0xe: {  	[smem:$0x3FAE] =	sst s6  }
0xf: {  	[smem:$0x3FAF] =	sst s7  }
0x10: {  	[smem:$0x3FB0] =	sst s8  }
0x11: {  	[smem:$0x3FB1] =	sst s9;
	s0 =	simm.s32 @!p0 $0x0  }
0x12: {  	s1 =	sld [smem:$0x3F97];
	s0 =	simm.s32 @p0 $0x1  }
0x13: {  	[smem:$0x3FB2] =	sst s0;
	s0 =	simm.s32 @!p1 $0x0  }
0x14: {  	s2 =	sld [smem:$0x3F96];
	s0 =	simm.s32 @p1 $0x1  }
0x15: {  	[smem:$0x3FB3] =	sst s0;
	s0 =	simm.s32 @!p2 $0x0  }
0x16: {  	s3 =	sld [smem:$0x3FDB];
	s0 =	simm.s32 @p2 $0x1  }
0x17: {  	s4 =	simm.s32 $0x1BF5;
	[smem:$0x3FB5] =	sst s0  }
0x18: {  	s0 =	sld [smem:$0x3F98];
	_ =	swait.ge [sflag:s4], $0x0  }
0x19: {  	s7 =	sld [smem:$0x3F99]  }
0x1a: {  	s8 =	sadd.s32 $0xFFFFE003, lr  }
0x1b: {  	s9 =	sadd.s32 $0xFFFFFEF7, lr;
	s5 =	simm.s32 $0xFFFFFFFF;
	p2 =	slt.u32 s8, $0xFFFFF086  }
0x1c: {  	p1 =	slt.u32 s9, $0xF7A;
	s5 =	simm.s32 @!p2 $0x0  }
0x1d: {  	s5 =	simm.s32 @p1 $0x1;
	p0 =	seq.s32 s7, s2  }
0x1e: {  	s7 =	smul.u32 @!p0 $0xF7A, s2;
	p2 =	seq.s32 @!p0 s5, $0x0  }
0x1f: {  	s9 =	smul.u32 $0xF7A, s1;
	s8 =	simm.s32 @!p0 $0x1BF5;
	p2 =	por !p2, p0  }
0x20: {  	[sflag:s8] =	ssyncset.s32 @!p0 $0xFFFFF086;
	s6 =	sadd.s32 @!p0 s3, s7;
	s7 =	simm.s32 @!p0 $0x108  }
0x21: {  	s3 =	sadd.s32 s3, s9;
	s6 =	sadd.s32 @!p0 $0x88, s6;
	s7 =	simm.s32 @p2 $0x1082  }
0x22: {  	[simem:s7], [sflag:s8] =	dma.local @!p0 [hbm:s6], $0xF7A  }
0x23: {  	s9 =	sor.u32 $0xD0000000, s2;
	s6 =	simm.s32 $0x108;
	_ =	swait.ge @!p0 [sflag:s8], $0x0  }
0x24: {  	s3 =	sadd.s32 $0x88, s3;
	s6 =	simm.s32 @!p1 $0x1082;
	[sflag:s4] =	ssyncset.s32 $0xFFFFF086  }
0x25: {  	[simem:s6], [sflag:s4] =	dma.local [hbm:s3], $0xF7A  }
0x26: {  	[smem:$0x3F99] =	sst s1;
	(tag) =	ssettag s2;
	_ =	strace s9  }
0x27: {  	s1 =	sld [smem:$0x3FA9]  }
0x28: {  	s2 =	sld [smem:$0x3FAA]  }
0x29: {  	s4 =	sld [smem:$0x3FAC]  }
0x2a: {  	p0 =	seq.s32 s5, $0x0;
	s5 =	sld [smem:$0x3FAD]  }
0x2b: {  	s6 =	sld [smem:$0x3FAE]  }
0x2c: {  	s7 =	sld [smem:$0x3FAF]  }
0x2d: {  	s3 =	simm.s32 $0x108;
	s8 =	sld [smem:$0x3FB0]  }
0x2e: {  	s3 =	simm.s32 @!p0 $0x1082;
	s9 =	sld [smem:$0x3FB1]  }
0x2f: {  	lr =	sadd.s32 s0, s3;
	s0 =	sld [smem:$0x3FA8]  }
0x30: {  	s3 =	sld [smem:$0x3FAB]  }
0x31: {  	[smem:$0x3FB4] =	sst s10  }
0x32: {  	s10 =	sld [smem:$0x3FB2];
	_ =	sdelay $0x3  }
0x33: {  	p0 =	seq.s32 s10, $0x1;
	s10 =	sld [smem:$0x3FB4];
	_ =	sdelay $0x3  }
0x34: {  	[smem:$0x3FB4] =	sst s10  }
0x35: {  	s10 =	sld [smem:$0x3FB3];
	_ =	sdelay $0x3  }
0x36: {  	p1 =	seq.s32 s10, $0x1;
	s10 =	sld [smem:$0x3FB4];
	_ =	sdelay $0x3  }
0x37: {  	[smem:$0x3FB4] =	sst s10  }
0x38: {  	s10 =	sld [smem:$0x3FB5]  }
0x39: {  	_ = 	snop;
	(pc) =	sbr.ind lr, $3  }
0x3a: {  	_ = 	snop  }
0x3b: {  	_ = 	snop  }
0x3c: {  	p2 =	seq.s32 s10, $0x1;
	s10 =	sld [smem:$0x3FB4]  }
0x3d: {  	_ =	shalt  }
0x3e: {  	_ =	shalt  }
0x3f: {  	_ =	shalt  }
0x40: {  	_ =	shalt  }
0x41: {  	_ =	shalt  }
0x42: {  	_ =	shalt  }
0x43: {  	_ =	shalt  }
0x44: {  	_ =	shalt  }
0x45: {  	_ =	shalt  }
0x46: {  	_ =	shalt  }
0x47: {  	_ =	shalt  }
0x48: {  	_ =	shalt  }
0x49: {  	_ =	shalt  }
0x4a: {  	_ =	shalt  }
0x4b: {  	_ =	shalt  }
0x4c: {  	_ =	shalt  }
0x4d: {  	_ =	shalt  }
0x4e: {  	_ =	shalt  }
0x4f: {  	_ =	shalt  }
0x50: {  	_ =	shalt  }
0x51: {  	_ =	shalt  }
0x52: {  	_ =	shalt  }
0x53: {  	_ =	shalt  }
0x54: {  	_ =	shalt  }
0x55: {  	_ =	shalt  }
0x56: {  	_ =	shalt  }
0x57: {  	_ =	shalt  }
0x58: {  	_ =	shalt  }
0x59: {  	_ =	shalt  }
0x5a: {  	_ =	shalt  }
0x5b: {  	_ =	shalt  }
0x5c: {  	_ =	shalt  }
0x5d: {  	_ =	shalt  }
0x5e: {  	_ =	shalt  }
0x5f: {  	_ =	shalt  }
0x60: {  	_ =	shalt  }
0x61: {  	_ =	shalt  }
0x62: {  	_ =	shalt  }
0x63: {  	_ =	shalt  }
0x64: {  	_ =	shalt  }
0x65: {  	_ =	shalt  }
0x66: {  	_ =	shalt  }
0x67: {  	_ =	shalt  }
0x68: {  	_ =	shalt  }
0x69: {  	_ =	shalt  }
0x6a: {  	_ =	shalt  }
0x6b: {  	_ =	shalt  }
0x6c: {  	_ =	shalt  }
0x6d: {  	_ =	shalt  }
0x6e: {  	_ =	shalt  }
0x6f: {  	_ =	shalt  }
0x70: {  	_ =	shalt  }
0x71: {  	_ =	shalt  }
0x72: {  	_ =	shalt  }
0x73: {  	_ =	shalt  }
0x74: {  	_ =	shalt  }
0x75: {  	_ =	shalt  }
0x76: {  	_ =	shalt  }
0x77: {  	_ =	shalt  }
0x78: {  	_ =	shalt  }
0x79: {  	_ =	shalt  }
0x7a: {  	_ =	shalt  }
0x7b: {  	_ =	shalt  }
0x7c: {  	_ =	shalt  }
0x7d: {  	_ =	shalt  }
0x7e: {  	_ =	shalt  }
0x7f: {  	_ =	shalt  }
0x80: {  	_ =	shalt  }
0x81: {  	_ =	shalt  }
0x82: {  	_ =	shalt  }
0x83: {  	_ =	shalt  }
0x84: {  	_ =	shalt  }
0x85: {  	_ =	shalt  }
0x86: {  	_ =	shalt  }
0x87: {  	_ =	shalt  }
.Lfunc_end0:
.L_simem_size_0:
called_computation.2_lowered:
.L_overlay_start_0:
0x88: {  	s2 =	sld [smem:$0x3FD9]  }
0x89: {  	s3 =	sld [smem:$0x3FFE];
	_ =	sdelay $0x1  }
0x8a: {  	s1 =	srdreg.scid  }
0x8b: {  	s0 =	sand.u32 $0x1, s1  }
0x8c: {  	s14 =	sshll.u32 s0, $0xA;
	s2 =	sadd.s32 s3, s2  }
0x8d: {  	s2 =	sadd.s32 s2, s14  }
0x8e: {  	[smem:$0x3FC0] =	sst s2  }
0x8f: {  	_ = 	snop  }
0x90: {  	s2 =	sld [smem:$0x3FD0];
	_ =	sdelay $0x2  }
0x91: {  	s15 =	simm.s32 $0xA;
	s4 =	simm.s32 $0x10  }
0x92: {  	[smem:s4], [sflag:s15] =	dma.local [hbm:s2], $0x1  }
0x93: {  	_ =	swait.eq [sflag:s15], $0x1  }
0x94: {  	[sflag:s15] =	ssyncset.done $0x0  }
0x95: {  	[sflag:s15] =	ssyncadd.s32 $0xFFFFFFFF  }
0x96: {  	s16 =	sld [smem:$0x11];
	(tm) =	ssettm $0x1  }
0x97: {  	s17 =	sld [smem:$0x3FFB];
	_ =	sdelay $0x3  }
0x98: {  	_ =	strace s17  }
0x99: {  	s3 =	sld [smem:$0x3FFC];
	_ =	sdelay $0x3  }
0x9a: {  	_ =	strace s3  }
0x9b: {  	s3 =	sld [smem:$0x3FFD];
	_ =	sdelay $0x3  }
0x9c: {  	_ =	strace s3  }
0x9d: {  	_ =	strace $0x8FFFFFFF  }
0x9e: {  	s18 =	sld [smem:$0x3FDB];
	_ =	sdelay $0x1  }
0x9f: {  	s19 =	simm.s32 $_scs_section_size  }
0xa0: {  	s5 =	simm.s32 $_size__tile_overlayer_lowered;
	s6 =	simm.s32 $_tile_overlayer_lowered  }
0xa1: {  	s22 =	simm.s32 $0x1BFF;
	s21 =	sshll.u32 s6, $0x1;
	s3 =	sadd.s32 s19, s18  }
0xa2: {  	s7 =	simm.s32 $0x0;
	s20 =	sshll.u32 s5, $0x1;
	s5 =	sadd.s32 s21, s3  }
0xa3: {  	[timem:s7], [sflag:s22] =	dma.local [hbm:s5], s20  }
0xa4: {  	_ =	swait.ge [sflag:s22], s20  }
0xa5: {  	s4 =	ssub.s32 $0x0, s20;
	[sflag:s22] =	ssyncset.done $0x0  }
0xa6: {  	[sflag:s22] =	ssyncadd.s32 s4;
	_ =	sdelay $0x1  }
0xa7: {  	s23 =	simm.s32 $0x1B8B  }
0xa8: {  	_ =	swait.ge [sflag:s23], $0x1  }
0xa9: {  	[sflag:s23] =	ssyncset.done $0x0  }
0xaa: {  	s25 =	simm.s32 $0x1B8E;
	s24 =	sld [smem:$0x3FFE];
	[sflag:s23] =	ssyncadd.s32 $0xFFFFFFFF  }
0xab: {  	s26 =	simm.s32 $execute0_lowered;
	[smem:$0x3FD2] =	sst s25  }
0xac: {  	s5 =	sshll.u32 s26, $0x1;
	_ =	strace $0x8000004C;
	[dreg:$0x1] =	wrdreg $0xFFFFFFFF  }
0xad: {  	s28 =	simm.s32 $_size_execute0_lowered;
	s3 =	sadd.s32 s3, s5;
	[dreg:$0x0] =	wrdreg $0x0  }
0xae: {  	s5 =	sshll.u32 s28, $0x1;
	[dreg:$0x2] =	wrdreg s3  }
0xaf: {  	[dreg:$0x3] =	wrdreg s5  }
0xb0: {  	[dreg:$0x4] =	wrdreg $0xC0  }
0xb1: {  	_ =	task [dreg:s7], $0x5FFFF  }
0xb2: {  	[dreg:$0x1] =	wrdreg $0xFFFFFFFF  }
0xb3: {  	[dreg:$0x0] =	wrdreg $0x60  }
0xb4: {  	[dreg:$0x2] =	wrdreg s24  }
0xb5: {  	[dreg:$0x3] =	wrdreg s16  }
0xb6: {  	[dreg:$0x4] =	wrdreg $0xC3000  }
0xb7: {  	[dreg:$0x5] =	wrdreg $0x9  }
0xb8: {  	_ =	task.clear_ibuf [dreg:s7], $0x6FFFF;
	_ =	strace $0x9000004C  }
0xb9: {  	s29 =	simm.s32 $0x9;
	_ =	strace $0x8000004E  }
0xba: {  	_ =	swait.ge [sflag:s29], $0x1  }
0xbb: {  	[sflag:s29] =	ssyncadd.s32 $0xFFFFFFFF  }
0xbc: {  	_ =	strace $0x9000004E  }
0xbd: {  	_ =	sfence  }
0xbe: {  	s30 =	sld [smem:$0x0];
	_ =	sdelay $0x2  }
0xbf: {  	s31 =	sshll.u32 s1, $0xD;
	s1 =	sshrl.u32 s1, $0x2  }
0xc0: {  	s3 =	sand.u32 $0x4000, s31;
	s1 =	sadd.s32 s1, s30  }
0xc1: {  	s0 =	sor.u32 s3, s0;
	s1 =	sshll.u32 s1, $0x11  }
0xc2: {  	s0 =	sor.u32 s1, s0  }
0xc3: {  	s0 =	sadd.s32 $0x8F2B, s0  }
0xc4: {  	[sflag:s0] =	ssyncadd.remote.s32 $0x1  }
0xc5: {  	_ =	sfence.sel $0xFFFF  }
0xc6: {  	[dreg:$0x0] =	wrdreg $0xFFFFFFFF;
	(pc) =	sbr.abs _section_cstart, $3  }
0xc7: {  	[dreg:$0x1] =	wrdreg $0xFFFFFFFF  }
0xc8: {  	_ =	task.clear_ibuf [dreg:s7], $0x2FFFF;
	_ =	strace $0x9FFFFFFF  }
0xc9: {  	(tm) =	ssettm $0x7FFFFFFF  }
tec
execute0_lowered:
.L_overlay_start_1:
0x0: {  	(tag) =	ssettag $0x1  }
0x1: {  	s0 =	rddreg [dreg:$0x0]  }
0x2: {  	s2 =	rddreg [dreg:$0x1];
	s1 =	srdreg.scid  }
0x3: {  	s3 =	rddreg [dreg:$0x2];
	s11 =	stileid.u32  }
0x4: {  	s4 =	simm.s32 $0x0;
	s28 =	simm.s32 $0x200;
	s6 =	smul.u32 $0x13C00, s11  }
0x5: {  	s29 =	simm.s32 $0x6;
	s30 =	simm.s32 $0x8300;
	s8 =	smul.u32 $0x4F000, s11  }
0x6: {  	s1 =	sand.u32 $0x1, s1;
	[smem:$0x7FF] =	sst s4;
	s17 =	smul.u32 $0x4F00, s11  }
0x7: {  	s31 =	simm.s32 $0x1;
	s5 =	smul.u32 $0x13C000, s1;
	_ =	strace $0x8000004D  }
0x8: {  	s13 =	sshll.u32 s1, $0x4;
	s7 =	ssub.s32 $0x2, s1;
	s1 =	smul.u32 $0x4F000, s1  }
0x9: {  	s10 =	sshrl.u32 s7, $0x1;
	s15 =	sshrl.u32 s8, $0x2;
	s5 =	sadd.s32 s6, s5  }
0xa: {  	s6 =	sor.u32 s11, s13;
	s14 =	ssub.s32 s7, s10;
	s22 =	sadd.s32 s17, s1  }
0xb: {  	s10 =	simm.s32 $0x0;
	s9 =	sshrl.u32 s5, $0x3;
	s6 =	smul.u32 $0x4F00, s6  }
0xc: {  	s5 =	sadd.s32 $0x2400, s0;
	s21 =	smax.u32 s14, $0x1;
	s25 =	sadd.s32 $0x500, s22  }
0xd: {  	s8 =	sadd.s32 $0x400, s22;
	s0 =	sadd.s32 s9, s0;
	[dreg:$0x8] =	wrdreg s21  }
0xe: {  	s1 =	sshrl.u32 s25, $0x3;
	s26 =	sshrl.u32 s8, $0x3;
	s21 =	simm.s32 $0x7  }
0xf: {  	s25 =	simm.s32 $0x5;
	s8 =	simm.s32 $0x3;
	s9 =	simm.s32 $0x280  }
0x10: {  	s16 =	sshrl.u32 s6, $0x3;
	s6 =	sadd.s32 s15, s3;
	s0 =	sadd.s32 $0x29600, s0  }
0x11: {  	s17 =	sadd.s32 s1, s2;
	s1 =	simm.s32 $0x180;
	s7 =	sadd.s32 s2, s16  }
0x12: {  	s18 =	sadd.s32 $0x10000, s6;
	[dreg:$0x7] =	wrdreg s0;
	s23 =	sadd.s32 $0x4000, s6  }
0x13: {  	s24 =	sadd.s32 $0x8000, s6;
	s15 =	sadd.s32 $0xC000, s6;
	[dreg:$0x4] =	wrdreg s18  }
0x14: {  	s0 =	simm.s32 $0x2;
	s19 =	sadd.s32 $0x20, s7;
	[dreg:$0x9] =	wrdreg s23  }
0x15: {  	s20 =	sadd.s32 $0x40, s7;
	[dreg:$0xa] =	wrdreg s24;
	s16 =	sadd.s32 $0x9C0, s7  }
0x16: {  	s18 =	sadd.s32 s26, s2;
	s23 =	simm.s32 $0x80;
	[dreg:$0x5] =	wrdreg s19  }
0x17: {  	s24 =	simm.s32 $0x100;
	s26 =	simm.s32 $0x4300;
	[dreg:$0x6] =	wrdreg s20  }
0x18: {  	v0 =	vimm.f32 $0.0e+00;
	s19 =	sadd.s32 $0x300, s22;
	s20 =	simm.s32 $0x300;
	s22 =	simm.s32 $0x4  }
.LBB2_1:
0x19: {  	s11 =	simm.s32 $0x0;
	s12 =	simm.s32 $0x200  }
.LBB2_2:
0x1a: {  	p0 =	sne.s32 s12, $0xFE00;
	[tilespmem:s11+$0x370] =	vst v0  }
0x1b: {  	[tilespmem:s11+$0x300] =	vst v0  }
0x1c: {  	[tilespmem:s11+$0x310] =	vst v0  }
.Ltmp0:
0x1d: {  	[tilespmem:s11+$0x320] =	vst v0;
	(pc) =	sbr.rel @p0 .LBB2_2-.Ltmp0, $4  }
0x1e: {  	[tilespmem:s11+$0x330] =	vst v0  }
0x1f: {  	[tilespmem:s11+$0x340] =	vst v0  }
0x20: {  	[tilespmem:s11+$0x350] =	vst v0  }
0x21: {  	[tilespmem:s11+$0x360] =	vst v0;
	s11 =	sshra.s32 s12, $0x2;
	s12 =	sadd.s32 $0x200, s12  }
0x22: {  	[tilespmem:s11+$0x370] =	vst v0  }
0x23: {  	[tilespmem:s11+$0x300] =	vst v0  }
0x24: {  	[tilespmem:s11+$0x310] =	vst v0  }
0x25: {  	[tilespmem:s11+$0x320] =	vst v0  }
0x26: {  	[tilespmem:s11+$0x330] =	vst v0  }
0x27: {  	[tilespmem:s11+$0x340] =	vst v0  }
0x28: {  	[tilespmem:s11+$0x350] =	vst v0  }
0x29: {  	[tilespmem:s11+$0x360] =	vst v0  }
0x2a: {  	[spmem:s6] =	stream.linear.scatter [tilespmem:s20], [sflag:$0x7], $0x4000, $0x38;
	[tilespmem:$0x1FF00] =	vst v63  }
0x2b: {  	_ =	swait.ge [sflag:s21], $0x4000  }
0x2c: {  	[sflag:s21] =	ssyncset.done $0x0  }
0x2d: {  	s13 =	rddreg [dreg:$0x9];
	[sflag:s21] =	ssyncadd.s32 $0xFFFFC000  }
0x2e: {  	[spmem:s13] =	stream.linear.scatter [tilespmem:s20], [sflag:$0x7], $0x4000, $0x38;
	[tilespmem:$0x1FF00] =	vst v63  }
0x2f: {  	_ =	swait.ge [sflag:s21], $0x4000  }
0x30: {  	[sflag:s21] =	ssyncset.done $0x0  }
0x31: {  	s14 =	rddreg [dreg:$0xa];
	[sflag:s21] =	ssyncadd.s32 $0xFFFFC000  }
0x32: {  	[spmem:s14] =	stream.linear.scatter [tilespmem:s20], [sflag:$0x7], $0x4000, $0x38;
	[tilespmem:$0x1FF00] =	vst v63  }
0x33: {  	_ =	swait.ge [sflag:s21], $0x4000  }
0x34: {  	[sflag:s21] =	ssyncset.done $0x0  }
0x35: {  	[sflag:s21] =	ssyncadd.s32 $0xFFFFC000  }
0x36: {  	[spmem:s15] =	stream.linear.scatter [tilespmem:s20], [sflag:$0x7], $0x4000, $0x38;
	[tilespmem:$0x1FF00] =	vst v63  }
0x37: {  	_ =	swait.ge [sflag:s21], $0x4000  }
0x38: {  	[sflag:s21] =	ssyncset.done $0x0  }
0x39: {  	s12 =	rddreg [dreg:$0x4];
	[sflag:s21] =	ssyncadd.s32 $0xFFFFC000  }
0x3a: {  	[spmem:s12] =	stream.linear.scatter [tilespmem:s20], [sflag:$0x7], $0x3C00, $0x38;
	[tilespmem:$0x1FF00] =	vst v63  }
0x3b: {  	_ =	swait.ge [sflag:s21], $0x3C00  }
0x3c: {  	[sflag:s21] =	ssyncset.done $0x0  }
0x3d: {  	[sflag:s21] =	ssyncadd.s32 $0xFFFFC400  }
0x3e: {  	s13 =	simm.s32 $0x0;
	[bflag:$0x0] =	sbarrier.arrive $0xFFFF  }
0x3f: {  	[tilespmem:s13], [sflag:$0x4] =	stream.linear.gather [hbm4b:s7+s13], $0x100, $0x38;
	[tilespmem:$0x1FF00] =	vst v63  }
0x40: {  	_ =	swait.ge [sflag:s22], $0x100  }
0x41: {  	[sflag:s22] =	ssyncset.done $0x0  }
0x42: {  	[sflag:s22] =	ssyncadd.s32 $0xFFFFFF00  }
0x43: {  	[tilespmem:s20], [sflag:$0x1] =	stream.indirect.gather [hbm4b:s5+s23], $0x80, s13, s23, $0xb8;
	[tilespmem:$0x1FF00] =	vst v63  }
0x44: {  	s12 =	rddreg [dreg:$0x5]  }
0x45: {  	[tilespmem:s24], [sflag:$0x5] =	stream.linear.gather [hbm4b:s12+s13], $0x100, $0x38;
	[tilespmem:$0x1FF00] =	vst v63  }
0x46: {  	_ =	swait.ge [sflag:s25], $0x100  }
0x47: {  	[sflag:s25] =	ssyncset.done $0x0  }
0x48: {  	[sflag:s25] =	ssyncadd.s32 $0xFFFFFF00  }
0x49: {  	[tilespmem:s26], [sflag:$0x2] =	stream.indirect.gather [hbm4b:s5+s23], $0x80, s24, s23, $0xb8;
	[tilespmem:$0x1FF00] =	vst v63  }
0x4a: {  	s14 =	rddreg [dreg:$0x6]  }
0x4b: {  	[tilespmem:s28], [sflag:$0x6] =	stream.linear.gather [hbm4b:s14+s13], $0x100, $0x38;
	[tilespmem:$0x1FF00] =	vst v63  }
0x4c: {  	_ =	swait.ge [sflag:s29], $0x100  }
0x4d: {  	[sflag:s29] =	ssyncset.done $0x0  }
0x4e: {  	[sflag:s29] =	ssyncadd.s32 $0xFFFFFF00  }
0x4f: {  	[tilespmem:s30], [sflag:$0x3] =	stream.indirect.gather [hbm4b:s5+s23], $0x80, s28, s23, $0xb8;
	[tilespmem:$0x1FF00] =	vst v63  }
0x50: {  	_ =	swait.ge [sflag:s31], $0x4000  }
0x51: {  	[sflag:s31] =	ssyncset.done $0x0  }
0x52: {  	[sflag:s31] =	ssyncadd.s32 $0xFFFFC000  }
0x53: {  	[spmem:s3] =	stream.indirect.scatter.add.f32 [tilespmem:s20], [sflag:$0x7], $0x80, s23, s23, $0xb8;
	[tilespmem:$0x1FF00] =	vst v63  }
0x54: {  	_ =	swait.ge [sflag:s21], $0x4000  }
0x55: {  	s13 =	sshrl.u32 s19, $0x3;
	[sflag:s21] =	ssyncset.done $0x0  }
0x56: {  	s11 =	sadd.s32 s2, s13;
	[sflag:s21] =	ssyncadd.s32 $0xFFFFC000  }
0x57: {  	[tilespmem:s4], [sflag:$0x4] =	stream.linear.gather [hbm4b:s11+s4], $0x100, $0x38;
	[tilespmem:$0x1FF00] =	vst v63  }
0x58: {  	_ =	swait.ge [sflag:s22], $0x100  }
0x59: {  	[sflag:s22] =	ssyncset.done $0x0  }
0x5a: {  	[sflag:s22] =	ssyncadd.s32 $0xFFFFFF00  }
0x5b: {  	[tilespmem:s20], [sflag:$0x1] =	stream.indirect.gather [hbm4b:s5+s23], $0x80, s4, s23, $0xb8;
	[tilespmem:$0x1FF00] =	vst v63  }
0x5c: {  	_ =	swait.ge [sflag:s0], $0x4000  }
0x5d: {  	[sflag:s0] =	ssyncset.done $0x0  }
0x5e: {  	[sflag:s0] =	ssyncadd.s32 $0xFFFFC000  }
0x5f: {  	[spmem:s3] =	stream.indirect.scatter.add.f32 [tilespmem:s26], [sflag:$0x7], $0x80, s1, s23, $0xb8;
	[tilespmem:$0x1FF00] =	vst v63  }
0x60: {  	_ =	swait.ge [sflag:s21], $0x4000  }
0x61: {  	[sflag:s21] =	ssyncset.done $0x0  }
0x62: {  	s14 =	sadd.s32 $0x0, s18;
	[sflag:s21] =	ssyncadd.s32 $0xFFFFC000  }
0x63: {  	[tilespmem:s24], [sflag:$0x5] =	stream.linear.gather [hbm4b:s14+s4], $0x100, $0x38;
	[tilespmem:$0x1FF00] =	vst v63  }
0x64: {  	_ =	swait.ge [sflag:s25], $0x100  }
0x65: {  	[sflag:s25] =	ssyncset.done $0x0  }
0x66: {  	[sflag:s25] =	ssyncadd.s32 $0xFFFFFF00  }
0x67: {  	[tilespmem:s26], [sflag:$0x2] =	stream.indirect.gather [hbm4b:s5+s23], $0x80, s24, s23, $0xb8;
	[tilespmem:$0x1FF00] =	vst v63  }
0x68: {  	_ =	swait.ge [sflag:s8], $0x4000  }
0x69: {  	[sflag:s8] =	ssyncset.done $0x0  }
0x6a: {  	[sflag:s8] =	ssyncadd.s32 $0xFFFFC000  }
0x6b: {  	[spmem:s3] =	stream.indirect.scatter.add.f32 [tilespmem:s30], [sflag:$0x7], $0x80, s9, s23, $0xb8;
	[tilespmem:$0x1FF00] =	vst v63  }
0x6c: {  	_ =	swait.ge [sflag:s21], $0x4000  }
0x6d: {  	s12 =	sadd.s32 $0x300, s19;
	[sflag:s21] =	ssyncset.done $0x0  }
0x6e: {  	s13 =	sadd.s32 $0x0, s17;
	s11 =	simm.s32 $0x60;
	[sflag:s21] =	ssyncadd.s32 $0xFFFFC000  }
.LBB2_4:
0x6f: {  	[tilespmem:s28], [sflag:$0x6] =	stream.linear.gather [hbm4b:s13+s4], $0x100, $0x38;
	[tilespmem:$0x1FF00] =	vst v63  }
0x70: {  	s13 =	smov.u32 s11  }
0x71: {  	p0 =	sne.s32 s11, $0x900;
	s11 =	sadd.s32 $0x60, s11;
	_ =	swait.ge [sflag:s29], $0x100  }
0x72: {  	[sflag:s29] =	ssyncset.done $0x0  }
0x73: {  	[sflag:s29] =	ssyncadd.s32 $0xFFFFFF00  }
0x74: {  	[tilespmem:s30], [sflag:$0x3] =	stream.indirect.gather [hbm4b:s5+s23], $0x80, s28, s23, $0xb8;
	[tilespmem:$0x1FF00] =	vst v63  }
0x75: {  	_ =	swait.ge [sflag:s31], $0x4000  }
0x76: {  	[sflag:s31] =	ssyncset.done $0x0  }
0x77: {  	[sflag:s31] =	ssyncadd.s32 $0xFFFFC000  }
0x78: {  	[spmem:s3] =	stream.indirect.scatter.add.f32 [tilespmem:s20], [sflag:$0x7], $0x80, s23, s23, $0xb8;
	[tilespmem:$0x1FF00] =	vst v63  }
0x79: {  	_ =	swait.ge [sflag:s21], $0x4000  }
0x7a: {  	s14 =	sshrl.u32 s12, $0x3;
	[sflag:s21] =	ssyncset.done $0x0  }
0x7b: {  	s14 =	sadd.s32 s2, s14;
	[sflag:s21] =	ssyncadd.s32 $0xFFFFC000  }
0x7c: {  	[tilespmem:s4], [sflag:$0x4] =	stream.linear.gather [hbm4b:s14+s4], $0x100, $0x38;
	[tilespmem:$0x1FF00] =	vst v63  }
0x7d: {  	_ =	swait.ge [sflag:s22], $0x100  }
0x7e: {  	[sflag:s22] =	ssyncset.done $0x0  }
0x7f: {  	[sflag:s22] =	ssyncadd.s32 $0xFFFFFF00  }
0x80: {  	[tilespmem:s20], [sflag:$0x1] =	stream.indirect.gather [hbm4b:s5+s23], $0x80, s4, s23, $0xb8;
	[tilespmem:$0x1FF00] =	vst v63  }
0x81: {  	_ =	swait.ge [sflag:s0], $0x4000  }
0x82: {  	[sflag:s0] =	ssyncset.done $0x0  }
0x83: {  	[sflag:s0] =	ssyncadd.s32 $0xFFFFC000  }
0x84: {  	[spmem:s3] =	stream.indirect.scatter.add.f32 [tilespmem:s26], [sflag:$0x7], $0x80, s1, s23, $0xb8;
	[tilespmem:$0x1FF00] =	vst v63  }
0x85: {  	_ =	swait.ge [sflag:s21], $0x4000  }
0x86: {  	[sflag:s21] =	ssyncset.done $0x0  }
0x87: {  	s14 =	sadd.s32 s13, s18;
	[sflag:s21] =	ssyncadd.s32 $0xFFFFC000  }
0x88: {  	[tilespmem:s24], [sflag:$0x5] =	stream.linear.gather [hbm4b:s14+s4], $0x100, $0x38;
	[tilespmem:$0x1FF00] =	vst v63  }
0x89: {  	_ =	swait.ge [sflag:s25], $0x100  }
0x8a: {  	[sflag:s25] =	ssyncset.done $0x0  }
0x8b: {  	[sflag:s25] =	ssyncadd.s32 $0xFFFFFF00  }
0x8c: {  	[tilespmem:s26], [sflag:$0x2] =	stream.indirect.gather [hbm4b:s5+s23], $0x80, s24, s23, $0xb8;
	[tilespmem:$0x1FF00] =	vst v63  }
0x8d: {  	_ =	swait.ge [sflag:s8], $0x4000  }
0x8e: {  	[sflag:s8] =	ssyncset.done $0x0  }
.Ltmp1:
0x8f: {  	[sflag:s8] =	ssyncadd.s32 $0xFFFFC000;
	(pc) =	sbr.rel @p0 .LBB2_4-.Ltmp1, $4  }
0x90: {  	[spmem:s3] =	stream.indirect.scatter.add.f32 [tilespmem:s30], [sflag:$0x7], $0x80, s9, s23, $0xb8;
	[tilespmem:$0x1FF00] =	vst v63  }
0x91: {  	_ =	swait.ge [sflag:s21], $0x4000  }
0x92: {  	[sflag:s21] =	ssyncset.done $0x0  }
0x93: {  	s12 =	sadd.s32 $0x300, s12;
	s13 =	sadd.s32 s13, s17;
	[sflag:s21] =	ssyncadd.s32 $0xFFFFC000  }
0x94: {  	[tilespmem:s28], [sflag:$0x6] =	stream.linear.gather [hbm4b:s13+s4], $0x100, $0x38;
	[tilespmem:$0x1FF00] =	vst v63  }
0x95: {  	_ =	swait.ge [sflag:s29], $0x100  }
0x96: {  	[sflag:s29] =	ssyncset.done $0x0  }
0x97: {  	[sflag:s29] =	ssyncadd.s32 $0xFFFFFF00  }
0x98: {  	[tilespmem:s30], [sflag:$0x3] =	stream.indirect.gather [hbm4b:s5+s23], $0x80, s28, s23, $0xb8;
	[tilespmem:$0x1FF00] =	vst v63  }
0x99: {  	_ =	swait.ge [sflag:s31], $0x4000  }
0x9a: {  	[sflag:s31] =	ssyncset.done $0x0  }
0x9b: {  	[sflag:s31] =	ssyncadd.s32 $0xFFFFC000  }
0x9c: {  	[spmem:s3] =	stream.indirect.scatter.add.f32 [tilespmem:s20], [sflag:$0x7], $0x80, s23, s23, $0xb8;
	[tilespmem:$0x1FF00] =	vst v63  }
0x9d: {  	_ =	swait.ge [sflag:s21], $0x4000  }
0x9e: {  	[sflag:s21] =	ssyncset.done $0x0  }
0x9f: {  	[sflag:s21] =	ssyncadd.s32 $0xFFFFC000  }
0xa0: {  	[tilespmem:s4], [sflag:$0x4] =	stream.linear.gather [hbm4b:s16+s4], $0x100, $0x38;
	[tilespmem:$0x1FF00] =	vst v63  }
0xa1: {  	_ =	swait.ge [sflag:s22], $0x100  }
0xa2: {  	[sflag:s22] =	ssyncset.done $0x0  }
0xa3: {  	[sflag:s22] =	ssyncadd.s32 $0xFFFFFF00  }
0xa4: {  	[tilespmem:s20], [sflag:$0x1] =	stream.indirect.gather [hbm4b:s5+s23], $0x80, s4, s23, $0xb8;
	[tilespmem:$0x1FF00] =	vst v63  }
0xa5: {  	_ =	swait.ge [sflag:s0], $0x4000  }
0xa6: {  	[sflag:s0] =	ssyncset.done $0x0  }
0xa7: {  	[sflag:s0] =	ssyncadd.s32 $0xFFFFC000  }
0xa8: {  	[spmem:s3] =	stream.indirect.scatter.add.f32 [tilespmem:s26], [sflag:$0x7], $0x80, s1, s23, $0xb8;
	[tilespmem:$0x1FF00] =	vst v63  }
0xa9: {  	_ =	swait.ge [sflag:s21], $0x4000  }
0xaa: {  	[sflag:s21] =	ssyncset.done $0x0  }
0xab: {  	[sflag:s21] =	ssyncadd.s32 $0xFFFFC000  }
0xac: {  	_ =	swait.ge [sflag:s8], $0x4000  }
0xad: {  	[sflag:s8] =	ssyncset.done $0x0  }
0xae: {  	[sflag:s8] =	ssyncadd.s32 $0xFFFFC000  }
0xaf: {  	[spmem:s3] =	stream.indirect.scatter.add.f32 [tilespmem:s30], [sflag:$0x7], $0x80, s9, s23, $0xb8;
	[tilespmem:$0x1FF00] =	vst v63  }
0xb0: {  	_ =	swait.ge [sflag:s21], $0x4000  }
0xb1: {  	[sflag:s21] =	ssyncset.done $0x0  }
0xb2: {  	[sflag:s21] =	ssyncadd.s32 $0xFFFFC000  }
0xb3: {  	_ =	swait.ge [sflag:s31], $0x4000  }
0xb4: {  	[sflag:s31] =	ssyncset.done $0x0  }
0xb5: {  	[sflag:s31] =	ssyncadd.s32 $0xFFFFC000  }
0xb6: {  	[spmem:s3] =	stream.indirect.scatter.add.f32 [tilespmem:s20], [sflag:$0x7], $0x80, s23, s23, $0xb8;
	[tilespmem:$0x1FF00] =	vst v63  }
0xb7: {  	_ =	swait.ge [sflag:s21], $0x4000  }
0xb8: {  	[sflag:s21] =	ssyncset.done $0x0  }
0xb9: {  	s11 =	stileid.u32;
	[sflag:s21] =	ssyncadd.s32 $0xFFFFC000  }
0xba: {  	s11 =	sshll.u32 s11, $0x6;
	[bflag:$0x0] =	sbarrier.arrive $0xFFFF  }
0xbb: {  	s12 =	sshrl.u32 s6, $0x3;
	s11 =	sor.u32 $0x1C07, s11;
	s14 =	rddreg [dreg:$0x7]  }
0xbc: {  	[hbm:s14], [sflag:s11] =	dma.local [spmem:s12], $0x2780  }
0xbd: {  	_ =	swait.ge [sflag:s21], $0x2780  }
0xbe: {  	s10 =	sadd.s32 $0x1, s10;
	s14 =	rddreg [dreg:$0x8]  }
0xbf: {  	p0 =	sne.s32 s10, s14  }
.Ltmp2:
0xc0: {  	_ = 	snop;
	(pc) =	sbr.rel @p0 .LBB2_1-.Ltmp2, $3  }
0xc1: {  	_ =	sdelay $0x1  }
0xc2: {  	[sflag:s21] =	ssyncset.done $0x0  }
0xc3: {  	[sflag:s21] =	ssyncadd.s32 $0xFFFFD880  }
0xc4: {  	_ =	sfence.sel $0x180000  }
0xc5: {  	[bflag:$0x0] =	sbarrier.arrive $0xFFFF  }
0xc6: {  	_ =	strace $0x9000004D  }
0xc7: {  	s0 =	stileid.u32;
	[bflag:$0x2] =	sbarrier.arrive $0xFFFF  }
0xc8: {  	p0 =	sne.s32 s0, $0x0;
	s0 =	rddreg [dreg:$0x3]  }
0xc9: {  	s0 =	sadd.s32 @!p0 $0x100000, s0  }
0xca: {  	[sflag:s0] =	ssyncadd.tile.s32 @!p0 $0x1;
	_ =	shalt  }
.Lfunc_end2:
_tile_overlayer_lowered:
.L_overlay_start_2:
0xcb: {  	(tag) =	ssettag $0x2  }
0xcc: {  	s0 =	rddreg [dreg:$0x0];
	s2 =	stileid.u32  }
0xcd: {  	s1 =	rddreg [dreg:$0x1];
	p0 =	sne.s32 s2, $0x0  }
0xce: {  	s3 =	rddreg [dreg:$0x2];
	[bflag:$0x3] =	sbarrier.arrive $0xFFFF;
	s2 =	simm.s32 @!p0 $0x1C07  }
0xcf: {  	[timem:s3], [sflag:s2] =	dma.local @!p0 [hbm:s0], s1  }
0xd0: {  	s0 =	simm.s32 @!p0 $0x7  }
0xd1: {  	_ =	swait.ge @!p0 [sflag:s0], s1  }
0xd2: {  	s1 =	ssub.s32 @!p0 $0x0, s1;
	[sflag:s0] =	ssyncset.done @!p0 $0x0  }
0xd3: {  	[sflag:s0] =	ssyncadd.s32 @!p0 s1  }
0xd4: {  	[bflag:$0x3] =	sbarrier.arrive $0xFFFF  }
0xd5: {  	_ =	shalt  }

// kernel: kernel.8.cloned.1.call-start
scs
__scs_entry_jumppad:
0x0: {  	(pc) =	sbr.rel $0x88, $3  }
0x1: {  	(tag) =	ssettag $0x0;
	lr =	simm.s32 $0x1  }
0x2: {  	[smem:$0x3F99] =	sst lr;
	_ =	strace $0xD0000000  }
0x3: {  	_ = 	snop  }
0x4: {  	_ = 	snop  }
0x5: {  	_ = 	snop  }
0x6: {  	_ = 	snop  }
0x7: {  	_ = 	snop  }
__scs_overlays_trampoline_lowered:
0x8: {  	[smem:$0x3FA8] =	sst s0  }
0x9: {  	[smem:$0x3FA9] =	sst s1  }
0xa: {  	[smem:$0x3FAA] =	sst s2  }
0xb: {  	[smem:$0x3FAB] =	sst s3  }
0xc: {  	[smem:$0x3FAC] =	sst s4  }
0xd: {  	[smem:$0x3FAD] =	sst s5  }
0xe: {  	[smem:$0x3FAE] =	sst s6  }
0xf: {  	[smem:$0x3FAF] =	sst s7  }
0x10: {  	[smem:$0x3FB0] =	sst s8  }
0x11: {  	[smem:$0x3FB1] =	sst s9;
	s0 =	simm.s32 @!p0 $0x0  }
0x12: {  	s1 =	sld [smem:$0x3F97];
	s0 =	simm.s32 @p0 $0x1  }
0x13: {  	[smem:$0x3FB2] =	sst s0;
	s0 =	simm.s32 @!p1 $0x0  }
0x14: {  	s2 =	sld [smem:$0x3F96];
	s0 =	simm.s32 @p1 $0x1  }
0x15: {  	[smem:$0x3FB3] =	sst s0;
	s0 =	simm.s32 @!p2 $0x0  }
0x16: {  	s3 =	sld [smem:$0x3FDB];
	s0 =	simm.s32 @p2 $0x1  }
0x17: {  	s4 =	simm.s32 $0x1BF5;
	[smem:$0x3FB5] =	sst s0  }
0x18: {  	s0 =	sld [smem:$0x3F98];
	_ =	swait.ge [sflag:s4], $0x0  }
0x19: {  	s7 =	sld [smem:$0x3F99]  }
0x1a: {  	s8 =	sadd.s32 $0xFFFFE003, lr  }
0x1b: {  	s9 =	sadd.s32 $0xFFFFFEF7, lr;
	s5 =	simm.s32 $0xFFFFFFFF;
	p2 =	slt.u32 s8, $0xFFFFF086  }
0x1c: {  	p1 =	slt.u32 s9, $0xF7A;
	s5 =	simm.s32 @!p2 $0x0  }
0x1d: {  	s5 =	simm.s32 @p1 $0x1;
	p0 =	seq.s32 s7, s2  }
0x1e: {  	s7 =	smul.u32 @!p0 $0xF7A, s2;
	p2 =	seq.s32 @!p0 s5, $0x0  }
0x1f: {  	s9 =	smul.u32 $0xF7A, s1;
	s8 =	simm.s32 @!p0 $0x1BF5;
	p2 =	por !p2, p0  }
0x20: {  	[sflag:s8] =	ssyncset.s32 @!p0 $0xFFFFF086;
	s6 =	sadd.s32 @!p0 s3, s7;
	s7 =	simm.s32 @!p0 $0x108  }
0x21: {  	s3 =	sadd.s32 s3, s9;
	s6 =	sadd.s32 @!p0 $0x88, s6;
	s7 =	simm.s32 @p2 $0x1082  }
0x22: {  	[simem:s7], [sflag:s8] =	dma.local @!p0 [hbm:s6], $0xF7A  }
0x23: {  	s9 =	sor.u32 $0xD0000000, s2;
	s6 =	simm.s32 $0x108;
	_ =	swait.ge @!p0 [sflag:s8], $0x0  }
0x24: {  	s3 =	sadd.s32 $0x88, s3;
	s6 =	simm.s32 @!p1 $0x1082;
	[sflag:s4] =	ssyncset.s32 $0xFFFFF086  }
0x25: {  	[simem:s6], [sflag:s4] =	dma.local [hbm:s3], $0xF7A  }
0x26: {  	[smem:$0x3F99] =	sst s1;
	(tag) =	ssettag s2;
	_ =	strace s9  }
0x27: {  	s1 =	sld [smem:$0x3FA9]  }
0x28: {  	s2 =	sld [smem:$0x3FAA]  }
0x29: {  	s4 =	sld [smem:$0x3FAC]  }
0x2a: {  	p0 =	seq.s32 s5, $0x0;
	s5 =	sld [smem:$0x3FAD]  }
0x2b: {  	s6 =	sld [smem:$0x3FAE]  }
0x2c: {  	s7 =	sld [smem:$0x3FAF]  }
0x2d: {  	s3 =	simm.s32 $0x108;
	s8 =	sld [smem:$0x3FB0]  }
0x2e: {  	s3 =	simm.s32 @!p0 $0x1082;
	s9 =	sld [smem:$0x3FB1]  }
0x2f: {  	lr =	sadd.s32 s0, s3;
	s0 =	sld [smem:$0x3FA8]  }
0x30: {  	s3 =	sld [smem:$0x3FAB]  }
0x31: {  	[smem:$0x3FB4] =	sst s10  }
0x32: {  	s10 =	sld [smem:$0x3FB2];
	_ =	sdelay $0x3  }
0x33: {  	p0 =	seq.s32 s10, $0x1;
	s10 =	sld [smem:$0x3FB4];
	_ =	sdelay $0x3  }
0x34: {  	[smem:$0x3FB4] =	sst s10  }
0x35: {  	s10 =	sld [smem:$0x3FB3];
	_ =	sdelay $0x3  }
0x36: {  	p1 =	seq.s32 s10, $0x1;
	s10 =	sld [smem:$0x3FB4];
	_ =	sdelay $0x3  }
0x37: {  	[smem:$0x3FB4] =	sst s10  }
0x38: {  	s10 =	sld [smem:$0x3FB5]  }
0x39: {  	_ = 	snop;
	(pc) =	sbr.ind lr, $3  }
0x3a: {  	_ = 	snop  }
0x3b: {  	_ = 	snop  }
0x3c: {  	p2 =	seq.s32 s10, $0x1;
	s10 =	sld [smem:$0x3FB4]  }
0x3d: {  	_ =	shalt  }
0x3e: {  	_ =	shalt  }
0x3f: {  	_ =	shalt  }
0x40: {  	_ =	shalt  }
0x41: {  	_ =	shalt  }
0x42: {  	_ =	shalt  }
0x43: {  	_ =	shalt  }
0x44: {  	_ =	shalt  }
0x45: {  	_ =	shalt  }
0x46: {  	_ =	shalt  }
0x47: {  	_ =	shalt  }
0x48: {  	_ =	shalt  }
0x49: {  	_ =	shalt  }
0x4a: {  	_ =	shalt  }
0x4b: {  	_ =	shalt  }
0x4c: {  	_ =	shalt  }
0x4d: {  	_ =	shalt  }
0x4e: {  	_ =	shalt  }
0x4f: {  	_ =	shalt  }
0x50: {  	_ =	shalt  }
0x51: {  	_ =	shalt  }
0x52: {  	_ =	shalt  }
0x53: {  	_ =	shalt  }
0x54: {  	_ =	shalt  }
0x55: {  	_ =	shalt  }
0x56: {  	_ =	shalt  }
0x57: {  	_ =	shalt  }
0x58: {  	_ =	shalt  }
0x59: {  	_ =	shalt  }
0x5a: {  	_ =	shalt  }
0x5b: {  	_ =	shalt  }
0x5c: {  	_ =	shalt  }
0x5d: {  	_ =	shalt  }
0x5e: {  	_ =	shalt  }
0x5f: {  	_ =	shalt  }
0x60: {  	_ =	shalt  }
0x61: {  	_ =	shalt  }
0x62: {  	_ =	shalt  }
0x63: {  	_ =	shalt  }
0x64: {  	_ =	shalt  }
0x65: {  	_ =	shalt  }
0x66: {  	_ =	shalt  }
0x67: {  	_ =	shalt  }
0x68: {  	_ =	shalt  }
0x69: {  	_ =	shalt  }
0x6a: {  	_ =	shalt  }
0x6b: {  	_ =	shalt  }
0x6c: {  	_ =	shalt  }
0x6d: {  	_ =	shalt  }
0x6e: {  	_ =	shalt  }
0x6f: {  	_ =	shalt  }
0x70: {  	_ =	shalt  }
0x71: {  	_ =	shalt  }
0x72: {  	_ =	shalt  }
0x73: {  	_ =	shalt  }
0x74: {  	_ =	shalt  }
0x75: {  	_ =	shalt  }
0x76: {  	_ =	shalt  }
0x77: {  	_ =	shalt  }
0x78: {  	_ =	shalt  }
0x79: {  	_ =	shalt  }
0x7a: {  	_ =	shalt  }
0x7b: {  	_ =	shalt  }
0x7c: {  	_ =	shalt  }
0x7d: {  	_ =	shalt  }
0x7e: {  	_ =	shalt  }
0x7f: {  	_ =	shalt  }
0x80: {  	_ =	shalt  }
0x81: {  	_ =	shalt  }
0x82: {  	_ =	shalt  }
0x83: {  	_ =	shalt  }
0x84: {  	_ =	shalt  }
0x85: {  	_ =	shalt  }
0x86: {  	_ =	shalt  }
0x87: {  	_ =	shalt  }
.Lfunc_end0:
.L_simem_size_0:
called_computation_lowered:
.L_overlay_start_0:
0x88: {  	s2 =	sld [smem:$0x3FD9]  }
0x89: {  	s3 =	sld [smem:$0x3FFE];
	_ =	sdelay $0x1  }
0x8a: {  	s1 =	srdreg.scid  }
0x8b: {  	s0 =	sand.u32 $0x1, s1  }
0x8c: {  	s14 =	sshll.u32 s0, $0xA;
	s2 =	sadd.s32 s3, s2  }
0x8d: {  	s2 =	sadd.s32 s2, s14  }
0x8e: {  	[smem:$0x3FC0] =	sst s2  }
0x8f: {  	_ = 	snop  }
0x90: {  	s2 =	sld [smem:$0x3FD0];
	_ =	sdelay $0x2  }
0x91: {  	s15 =	simm.s32 $0xA;
	s4 =	simm.s32 $0x10  }
0x92: {  	[smem:s4], [sflag:s15] =	dma.local [hbm:s2], $0x1  }
0x93: {  	_ =	swait.eq [sflag:s15], $0x1  }
0x94: {  	[sflag:s15] =	ssyncset.done $0x0  }
0x95: {  	[sflag:s15] =	ssyncadd.s32 $0xFFFFFFFF  }
0x96: {  	s16 =	sld [smem:$0x10];
	(tm) =	ssettm $0x1  }
0x97: {  	s17 =	sld [smem:$0x3FFB];
	_ =	sdelay $0x3  }
0x98: {  	_ =	strace s17  }
0x99: {  	s3 =	sld [smem:$0x3FFC];
	_ =	sdelay $0x3  }
0x9a: {  	_ =	strace s3  }
0x9b: {  	s3 =	sld [smem:$0x3FFD];
	_ =	sdelay $0x3  }
0x9c: {  	_ =	strace s3  }
0x9d: {  	_ =	strace $0x8FFFFFFF  }
0x9e: {  	s18 =	sld [smem:$0x3FDB];
	_ =	sdelay $0x1  }
0x9f: {  	s19 =	simm.s32 $_scs_section_size  }
0xa0: {  	s5 =	simm.s32 $_size__tile_overlayer_lowered;
	s6 =	simm.s32 $_tile_overlayer_lowered  }
0xa1: {  	s22 =	simm.s32 $0x1BFF;
	s21 =	sshll.u32 s6, $0x1;
	s3 =	sadd.s32 s19, s18  }
0xa2: {  	s7 =	simm.s32 $0x0;
	s20 =	sshll.u32 s5, $0x1;
	s5 =	sadd.s32 s21, s3  }
0xa3: {  	[timem:s7], [sflag:s22] =	dma.local [hbm:s5], s20  }
0xa4: {  	_ =	swait.ge [sflag:s22], s20  }
0xa5: {  	s4 =	ssub.s32 $0x0, s20;
	[sflag:s22] =	ssyncset.done $0x0  }
0xa6: {  	[sflag:s22] =	ssyncadd.s32 s4;
	_ =	sdelay $0x1  }
0xa7: {  	s23 =	simm.s32 $0x1B8B  }
0xa8: {  	_ =	swait.ge [sflag:s23], $0x1  }
0xa9: {  	[sflag:s23] =	ssyncset.done $0x0  }
0xaa: {  	s25 =	simm.s32 $0x1B8E;
	s24 =	sld [smem:$0x3FFE];
	[sflag:s23] =	ssyncadd.s32 $0xFFFFFFFF  }
0xab: {  	s26 =	simm.s32 $execute0_lowered;
	[smem:$0x3FD2] =	sst s25  }
0xac: {  	s5 =	sshll.u32 s26, $0x1;
	_ =	strace $0x80000046;
	[dreg:$0x1] =	wrdreg $0xFFFFFFFF  }
0xad: {  	s28 =	simm.s32 $_size_execute0_lowered;
	s3 =	sadd.s32 s3, s5;
	[dreg:$0x0] =	wrdreg $0x0  }
0xae: {  	s5 =	sshll.u32 s28, $0x1;
	[dreg:$0x2] =	wrdreg s3  }
0xaf: {  	[dreg:$0x3] =	wrdreg s5  }
0xb0: {  	[dreg:$0x4] =	wrdreg $0xC0  }
0xb1: {  	_ =	task [dreg:s7], $0x5FFFF  }
0xb2: {  	[dreg:$0x1] =	wrdreg $0xFFFFFFFF  }
0xb3: {  	[dreg:$0x0] =	wrdreg $0x60  }
0xb4: {  	[dreg:$0x2] =	wrdreg s16  }
0xb5: {  	[dreg:$0x3] =	wrdreg s24  }
0xb6: {  	[dreg:$0x4] =	wrdreg $0xA8000  }
0xb7: {  	[dreg:$0x5] =	wrdreg $0x9  }
0xb8: {  	_ =	task.clear_ibuf [dreg:s7], $0x6FFFF;
	_ =	strace $0x90000046  }
0xb9: {  	s29 =	simm.s32 $0x9;
	_ =	strace $0x80000048  }
0xba: {  	_ =	swait.ge [sflag:s29], $0x1  }
0xbb: {  	[sflag:s29] =	ssyncadd.s32 $0xFFFFFFFF  }
0xbc: {  	_ =	strace $0x90000048  }
0xbd: {  	_ =	sfence  }
0xbe: {  	s30 =	sld [smem:$0x0];
	_ =	sdelay $0x2  }
0xbf: {  	s31 =	sshll.u32 s1, $0xD;
	s1 =	sshrl.u32 s1, $0x2  }
0xc0: {  	s3 =	sand.u32 $0x4000, s31;
	s1 =	sadd.s32 s1, s30  }
0xc1: {  	s0 =	sor.u32 s3, s0;
	s1 =	sshll.u32 s1, $0x11  }
0xc2: {  	s0 =	sor.u32 s1, s0  }
0xc3: {  	s0 =	sadd.s32 $0x8F2B, s0  }
0xc4: {  	[sflag:s0] =	ssyncadd.remote.s32 $0x1  }
0xc5: {  	_ =	sfence.sel $0xFFFF  }
0xc6: {  	[dreg:$0x0] =	wrdreg $0xFFFFFFFF;
	(pc) =	sbr.abs _section_cstart, $3  }
0xc7: {  	[dreg:$0x1] =	wrdreg $0xFFFFFFFF  }
0xc8: {  	_ =	task.clear_ibuf [dreg:s7], $0x2FFFF;
	_ =	strace $0x9FFFFFFF  }
0xc9: {  	(tm) =	ssettm $0x7FFFFFFF  }
tec
execute0_lowered:
.L_overlay_start_1:
0x0: {  	(tag) =	ssettag $0x1  }
0x1: {  	s6 =	rddreg [dreg:$0x0]  }
0x2: {  	s4 =	rddreg [dreg:$0x1];
	s0 =	srdreg.scid  }
0x3: {  	s2 =	rddreg [dreg:$0x2];
	s1 =	stileid.u32  }
0x4: {  	s3 =	simm.s32 $0x0;
	s12 =	simm.s32 $0x6800;
	s13 =	simm.s32 $0x1  }
0x5: {  	s14 =	simm.s32 $0x80;
	s15 =	simm.s32 $0x2800;
	s8 =	smul.u32 $0x13C00, s1  }
0x6: {  	s5 =	sand.u32 $0x1, s0;
	s0 =	rddreg [dreg:$0x3];
	s9 =	smul.u32 $0x4F000, s1  }
0x7: {  	[smem:$0x7FF] =	sst s3;
	s16 =	sshll.u32 s1, $0x6;
	s7 =	smul.u32 $0x13C000, s5  }
0x8: {  	s30 =	sshll.u32 s5, $0x4;
	_ =	strace $0x80000047;
	s5 =	ssub.s32 $0x2, s5  }
0x9: {  	s16 =	sor.u32 $0x1C01, s16;
	s7 =	sadd.s32 s8, s7;
	s8 =	sor.u32 s1, s30  }
0xa: {  	s9 =	sshrl.u32 s9, $0x2;
	s7 =	sshrl.u32 s7, $0x3;
	s8 =	smul.u32 $0x500, s8  }
0xb: {  	s10 =	sshrl.u32 s5, $0x1;
	s7 =	sadd.s32 s7, s4;
	s4 =	sadd.s32 s9, s2  }
0xc: {  	s31 =	ssub.s32 s5, s10;
	s5 =	sadd.s32 $0x10000, s4;
	s6 =	sadd.s32 s6, s8  }
0xd: {  	s7 =	sadd.s32 $0x2400, s7;
	s8 =	smax.u32 s31, $0x1;
	s9 =	sadd.s32 $0x4000, s4  }
0xe: {  	v0 =	vimm.f32 $0.0e+00;
	v1 =	vimm.f32 $1.000000000e+00;
	s10 =	sadd.s32 $0x8000, s4;
	s11 =	sadd.s32 $0xC000, s4;
	s17 =	sshrl.u32 s4, $0x3  }
.LBB2_1:
0xf: {  	s18 =	simm.s32 $0x0  }
.LBB2_2:
0x10: {  	p0 =	sne.s32 s18, $0xFE00  }
.Ltmp0:
0x11: {  	_ = 	snop;
	(pc) =	sbr.rel @p0 .LBB2_2-.Ltmp0, $3  }
0x12: {  	_ =	sdelay $0x1  }
0x13: {  	s19 =	sshra.s32 s18, $0x2  }
0x14: {  	s18 =	sadd.s32 $0x200, s18;
	[tilespmem:s19+$0x6800] =	vst v0  }
0x15: {  	s18 =	simm.s32 $0x200;
	s19 =	simm.s32 $0x0  }
.LBB2_4:
0x16: {  	p0 =	sne.s32 s18, $0xFE00;
	[tilespmem:s19+$0x2800] =	vst v1;
	s19 =	smov.u32 s18;
	s18 =	sadd.s32 $0x200, s18  }
.Ltmp1:
0x17: {  	(pc) =	sbr.rel @p0 .LBB2_4-.Ltmp1, $2  }
0x18: {  	_ =	sdelay $0x2  }
0x19: {  	s19 =	sshra.s32 s19, $0x2  }
0x1a: {  	[tilespmem:s19+$0x2800] =	vst v1  }
0x1b: {  	[spmem:s4] =	stream.linear.scatter [tilespmem:s12], [sflag:$0x1], $0x4000, $0x38;
	[tilespmem:$0xCF80] =	vst v63  }
0x1c: {  	_ =	swait.ge [sflag:s13], $0x4000  }
0x1d: {  	[sflag:s13] =	ssyncset.done $0x0  }
0x1e: {  	[sflag:s13] =	ssyncadd.s32 $0xFFFFC000  }
0x1f: {  	[spmem:s9] =	stream.linear.scatter [tilespmem:s12], [sflag:$0x1], $0x4000, $0x38;
	[tilespmem:$0xCF80] =	vst v63  }
0x20: {  	_ =	swait.ge [sflag:s13], $0x4000  }
0x21: {  	[sflag:s13] =	ssyncset.done $0x0  }
0x22: {  	[sflag:s13] =	ssyncadd.s32 $0xFFFFC000  }
0x23: {  	[spmem:s10] =	stream.linear.scatter [tilespmem:s12], [sflag:$0x1], $0x4000, $0x38;
	[tilespmem:$0xCF80] =	vst v63  }
0x24: {  	_ =	swait.ge [sflag:s13], $0x4000  }
0x25: {  	[sflag:s13] =	ssyncset.done $0x0  }
0x26: {  	[sflag:s13] =	ssyncadd.s32 $0xFFFFC000  }
0x27: {  	[spmem:s11] =	stream.linear.scatter [tilespmem:s12], [sflag:$0x1], $0x4000, $0x38;
	[tilespmem:$0xCF80] =	vst v63  }
0x28: {  	_ =	swait.ge [sflag:s13], $0x4000  }
0x29: {  	[sflag:s13] =	ssyncset.done $0x0  }
0x2a: {  	[sflag:s13] =	ssyncadd.s32 $0xFFFFC000  }
0x2b: {  	[spmem:s5] =	stream.linear.scatter [tilespmem:s12], [sflag:$0x1], $0x3C00, $0x38;
	[tilespmem:$0xCF80] =	vst v63  }
0x2c: {  	_ =	swait.ge [sflag:s13], $0x3C00  }
0x2d: {  	[sflag:s13] =	ssyncset.done $0x0  }
0x2e: {  	s18 =	simm.s32 $0x0;
	[sflag:s13] =	ssyncadd.s32 $0xFFFFC400  }
0x2f: {  	[tilespmem:s18], [sflag:$0x1] =	stream.linear.gather [hbm4b:s6+s18], $0x2780, $0x38;
	[tilespmem:$0xCF80] =	vst v63  }
0x30: {  	_ =	swait.ge [sflag:s13], $0x2780  }
0x31: {  	[sflag:s13] =	ssyncset.done $0x0  }
0x32: {  	[sflag:s13] =	ssyncadd.s32 $0xFFFFD880  }
0x33: {  	s31 =	simm.s32 $0x0;
	[bflag:$0x0] =	sbarrier.arrive $0xFFFF  }
0x34: {  	[spmem:s2] =	stream.indirect.scatter.add.f32 [tilespmem:s15], [sflag:$0x1], $0x10, s31, s14, $0xb8;
	[tilespmem:$0xCF80] =	vst v63  }
0x35: {  	_ =	swait.ge [sflag:s13], $0x800  }
0x36: {  	s18 =	simm.s32 $0x200;
	[sflag:s13] =	ssyncset.done $0x0  }
.LBB2_6:
0x37: {  	s19 =	sshra.s32 s18, $0x2;
	[sflag:s13] =	ssyncadd.s32 $0xFFFFF800;
	p0 =	sne.s32 s18, $0x9C00  }
0x38: {  	[spmem:s2] =	stream.indirect.scatter.add.f32 [tilespmem:s15], [sflag:$0x1], $0x10, s19, s14, $0xb8;
	[tilespmem:$0xCF80] =	vst v63  }
.Ltmp2:
0x39: {  	_ = 	snop;
	(pc) =	sbr.rel @p0 .LBB2_6-.Ltmp2, $4  }
0x3a: {  	_ = 	snop  }
0x3b: {  	s18 =	sadd.s32 $0x200, s18  }
0x3c: {  	_ =	swait.ge [sflag:s13], $0x800  }
0x3d: {  	[sflag:s13] =	ssyncset.done $0x0  }
0x3e: {  	s3 =	sadd.s32 $0x1, s3  }
0x3f: {  	[sflag:s13] =	ssyncadd.s32 $0xFFFFF800;
	p0 =	sne.s32 s3, s8  }
.Ltmp3:
0x40: {  	[bflag:$0x0] =	sbarrier.arrive $0xFFFF;
	(pc) =	sbr.rel @p0 .LBB2_1-.Ltmp3, $4  }
0x41: {  	[hbm:s7], [sflag:s16] =	dma.local [spmem:s17], $0x2780  }
0x42: {  	_ =	swait.ge [sflag:s13], $0x2780  }
0x43: {  	[sflag:s13] =	ssyncset.done $0x0  }
0x44: {  	[sflag:s13] =	ssyncadd.s32 $0xFFFFD880  }
0x45: {  	_ =	sfence.sel $0x180000  }
0x46: {  	[bflag:$0x0] =	sbarrier.arrive $0xFFFF  }
0x47: {  	p0 =	sne.s32 s1, $0x0;
	_ =	strace $0x90000047  }
0x48: {  	s0 =	sadd.s32 @!p0 $0x100000, s0;
	[bflag:$0x2] =	sbarrier.arrive $0xFFFF  }
0x49: {  	[sflag:s0] =	ssyncadd.tile.s32 @!p0 $0x1;
	_ =	shalt  }
.Lfunc_end2:
_tile_overlayer_lowered:
.L_overlay_start_2:
0x4a: {  	(tag) =	ssettag $0x2  }
0x4b: {  	s0 =	rddreg [dreg:$0x0];
	s2 =	stileid.u32  }
0x4c: {  	s1 =	rddreg [dreg:$0x1];
	p0 =	sne.s32 s2, $0x0  }
0x4d: {  	s3 =	rddreg [dreg:$0x2];
	[bflag:$0x3] =	sbarrier.arrive $0xFFFF;
	s2 =	simm.s32 @!p0 $0x1C01  }
0x4e: {  	[timem:s3], [sflag:s2] =	dma.local @!p0 [hbm:s0], s1  }
0x4f: {  	s0 =	simm.s32 @!p0 $0x1  }
0x50: {  	_ =	swait.ge @!p0 [sflag:s0], s1  }
0x51: {  	s1 =	ssub.s32 @!p0 $0x0, s1;
	[sflag:s0] =	ssyncset.done @!p0 $0x0  }
0x52: {  	[sflag:s0] =	ssyncadd.s32 @!p0 s1  }
0x53: {  	[bflag:$0x3] =	sbarrier.arrive $0xFFFF  }
0x54: {  	_ =	shalt  }

</sc_bundles>
